<compile_context>
chip_gen: v7x
topology: tpu7x:2x2x1
jax: 0.10.2.dev20260603
libtpu: 0.0.44.dev20260713+nightly
codegen_flags: <defaults>
</compile_context>

<pallas_src>
import functools

import jax
import jax.numpy as jnp
from jax import lax
from jax.experimental import pallas as pl
from jax.experimental.pallas import tpu as pltpu
from jax.experimental.pallas import tpu_sc as plsc

_VOCAB = 50257
_D_MODEL = 768
_B = 4
_S = 8192
_N = _B * _S

_NC = 2
_NS = 16
_NW = _NC * _NS
_BPW = _N // _NW
_CH = 128
_NCHUNK = _BPW // _CH


def _sc_gather_body(ids_hbm, table_hbm, out_hbm, idx_v, offs_v, g_v, sem):
    wid = lax.axis_index("s") * _NC + lax.axis_index("c")
    base = wid * _BPW
    bidx = wid // 8
    ccol0 = 8 * (wid % 8)
    pltpu.sync_copy(ids_hbm.at[pl.ds(ccol0, 8), pl.ds(bidx, 1), :], idx_v)

    def _offs_chunk(j, carry):
        for k in range(8):
            sl = pl.ds(16 * k, 16)
            t = idx_v[j, 0, sl]
            for ch in range(3):
                offs_v[ch, j, sl] = t + ch * _VOCAB
        return carry

    lax.fori_loop(0, _NCHUNK, _offs_chunk, 0)

    def _gather_chunk(j, carry):
        for ch in range(3):
            pltpu.async_copy(
                table_hbm.at[offs_v.at[ch, j]],
                g_v.at[ch, pl.ds(_CH * j, _CH)],
                sem,
            )
        return carry

    lax.fori_loop(0, _NCHUNK, _gather_chunk, 0)
    for ch in range(3):
        pltpu.make_async_copy(table_hbm.at[pl.ds(0, _BPW)], g_v.at[ch], sem).wait()
    for ch in range(3):
        pltpu.sync_copy(g_v.at[ch], out_hbm.at[pl.ds(ch * _N + base, _BPW)])


_sc_gather = functools.partial(
    pl.kernel,
    out_type=jax.ShapeDtypeStruct((3 * _N,), jnp.float32),
    mesh=plsc.VectorSubcoreMesh(
        core_axis_name="c", subcore_axis_name="s", num_cores=_NC, num_subcores=_NS
    ),
    scratch_types=[
        pltpu.VMEM((_NCHUNK, 1, _CH), jnp.int32),
        pltpu.VMEM((3, _NCHUNK, _CH), jnp.int32),
        pltpu.VMEM((3, _BPW), jnp.float32),
        pltpu.SemaphoreType.DMA,
    ],
    compiler_params=pltpu.CompilerParams(use_tc_tiling_on_sc=False),
)(_sc_gather_body)


_SBLK = 2048
_RW = _SBLK // 1024


def _tc_pad_body(scale_ref, x_ref, y_ref, z_ref, out_ref):
    s = scale_ref[0, 0]
    out_ref[...] = jnp.zeros_like(out_ref)
    for ch, ref in ((0, x_ref), (1, y_ref), (2, z_ref)):
        for r in range(_RW):
            pt = ref[r].T * s
            for j in range(8):
                out_ref[pl.ds(1024 * r + 128 * j, 128), ch : ch + 1] = pt[
                    :, j : j + 1
                ]


def kernel(token_ids, spiral_coords, radial_scale):
    ids3 = token_ids.reshape(_B, _S // 128, 128).transpose(1, 0, 2)
    table1 = spiral_coords.T.reshape(_VOCAB * 3)
    coords = _sc_gather(ids3, table1)
    coords8 = coords.reshape(3 * _N // 1024, 8, 128)
    scale = radial_scale.reshape(1, 1)

    nblk = _N // _SBLK
    plane = _N // 1024

    out = pl.pallas_call(
        _tc_pad_body,
        grid=(nblk,),
        in_specs=[
            pl.BlockSpec((1, 1), lambda i: (0, 0), memory_space=pltpu.SMEM),
            pl.BlockSpec((_RW, 8, 128), lambda i: (i, 0, 0)),
            pl.BlockSpec((_RW, 8, 128), lambda i: (i + plane // _RW, 0, 0)),
            pl.BlockSpec((_RW, 8, 128), lambda i: (i + 2 * plane // _RW, 0, 0)),
        ],
        out_specs=pl.BlockSpec((_SBLK, _D_MODEL), lambda i: (i, 0)),
        out_shape=jax.ShapeDtypeStruct((_N, _D_MODEL), jnp.float32),
    )(scale, coords8, coords8, coords8)

    return out.reshape(_B, _S, _D_MODEL)

# --- scband reference (transcript-rebuilt; emitter-appended) ---
"""Pipeline reference for scband-golden-embedding-63651415327276 (READ-ONLY COPY).

The authoritative reference and input builder live on the scoring server;
editing this copy changes nothing except your own understanding.
"""

import jax, jax.numpy as jnp
import numpy as np

VOCAB = 50257
D_MODEL = 768
PHI = (1 + np.sqrt(5)) / 2
GAP = 1 - 1 / PHI
TAU = 2 * np.pi


def _make_spiral_coords():
    # computed in float64 numpy to match torch's python-float loop, then cast
    i = np.arange(VOCAB, dtype=np.float64)
    freq_rank = i / VOCAB
    r = GAP + (1 - GAP) * freq_rank
    theta = TAU * ((i * PHI) % 1.0)
    coords = np.stack([r * np.cos(theta), r * np.sin(theta), r], axis=-1)
    return jnp.asarray(coords, dtype=jnp.float32)


def setup_inputs(seed: int = 0) -> dict:
    key = jax.random.key(seed)
    k1, _ = jax.random.split(key)
    token_ids = jax.random.randint(k1, (4, 8192), 0, VOCAB, dtype=jnp.int32)
    spiral_coords = _make_spiral_coords()  # buffer (vocab, 3)
    radial_scale = jnp.ones((1,), dtype=jnp.float32)  # learned parameter
    return {"token_ids": token_ids, "spiral_coords": spiral_coords, "radial_scale": radial_scale}


def reference(token_ids, spiral_coords, radial_scale):
    # gather: (batch, seq, 3)
    coords = jnp.take(spiral_coords, token_ids, axis=0)
    coords = coords * radial_scale
    # embed into first 3 channels of a (batch, seq, d_model) zero field
    embeddings = jnp.zeros(token_ids.shape + (D_MODEL,), dtype=jnp.float32)
    embeddings = embeddings.at[..., :3].set(coords)
    return embeddings

if __name__ == "__main__":
    import jax
    _d = setup_inputs()
    print(jax.jit(kernel)(*tuple(_d.values())))

</pallas_src>

<mosaic_0001>
#map = affine_map<(d0, d1) -> (0, 0, 0)>
#map1 = affine_map<(d0, d1) -> (0)>
module attributes {stable_mosaic.version = 14 : i64} {
  func.func @_sc_gather_body(%arg0: i32, %arg1: i32, %arg2: memref<64x4x128xi32, #tpu.memory_space<hbm>>, %arg3: memref<150771xf32, #tpu.memory_space<hbm>>, %arg4: memref<98304xf32, #tpu.memory_space<hbm>>, %arg5: memref<8x1x128xi32, #tpu.memory_space<vmem>>, %arg6: memref<3x8x128xi32, #tpu.memory_space<vmem>>, %arg7: memref<3x1024xf32, #tpu.memory_space<vmem>>, %arg8: memref<!tpu.dma_semaphore, #tpu.memory_space<semaphore_mem>>) attributes {dimension_semantics = [#tpu.dimension_semantics<core_parallel>, #tpu.dimension_semantics<subcore_parallel>], iteration_bounds = array<i64: 2, 16>, scalar_prefetch = 0 : i64, scratch_operands = 4 : i64, tpu.core_type = #tpu.core_type<sc_vector_subcore>, window_params = [{transform_indices = #map}, {transform_indices = #map1}, {transform_indices = #map1}]} {
    %mul3A = arith.constant 2 : i32
    %mul3A_0 = arith.muli %arg1, %mul3A : i32
    %add3A = arith.addi %mul3A_0, %arg0 : i32
    %mul3A_1 = arith.constant 1024 : i32
    %mul3A_2 = arith.muli %add3A, %mul3A_1 : i32
    %jit3A = arith.constant 8 : i32
    %div3A = arith.divsi %add3A, %jit3A : i32
    %sign3A = arith.constant 0 : i32
    %sign3A_3 = arith.cmpi sgt, %add3A, %sign3A : i32
    %sign3A_4 = arith.extui %sign3A_3 : i1 to i32
    %sign3A_5 = arith.constant 0 : i32
    %sign3A_6 = arith.cmpi slt, %add3A, %sign3A_5 : i32
    %sign3A_7 = arith.extui %sign3A_6 : i1 to i32
    %sign3A_8 = arith.subi %sign3A_4, %sign3A_7 : i32
    %sign3A_9 = arith.constant 0 : i32
    %sign3A_10 = arith.cmpi sgt, %jit3A, %sign3A_9 : i32
    %sign3A_11 = arith.extui %sign3A_10 : i1 to i32
    %sign3A_12 = arith.constant 0 : i32
    %sign3A_13 = arith.cmpi slt, %jit3A, %sign3A_12 : i32
    %sign3A_14 = arith.extui %sign3A_13 : i1 to i32
    %sign3A_15 = arith.subi %sign3A_11, %sign3A_14 : i32
    %ne3A = arith.cmpi ne, %sign3A_8, %sign3A_15 : i32
    %rem3A = arith.remsi %add3A, %jit3A : i32
    %ne3A_16 = arith.constant 0 : i32
    %ne3A_17 = arith.cmpi ne, %rem3A, %ne3A_16 : i32
    %and3A = arith.andi %ne3A, %ne3A_17 : i1
    %sub3A = arith.constant 1 : i32
    %sub3A_18 = arith.subi %div3A, %sub3A : i32
    %select_n3A = arith.select %and3A, %sub3A_18, %div3A : i32
    %jit3A_19 = arith.constant 8 : i32
    %eq3A = arith.constant 0 : i32
    %eq3A_20 = arith.cmpi eq, %jit3A_19, %eq3A : i32
    %jit3A_21 = arith.constant 1 : i32
    %select_n3A_22 = arith.select %eq3A_20, %jit3A_21, %jit3A_19 : i32
    %rem3A_23 = arith.remsi %add3A, %select_n3A_22 : i32
    %ne3A_24 = arith.constant 0 : i32
    %ne3A_25 = arith.cmpi ne, %rem3A_23, %ne3A_24 : i32
    %lt3A = arith.constant 0 : i32
    %lt3A_26 = arith.cmpi slt, %rem3A_23, %lt3A : i32
    %lt3A_27 = arith.constant 0 : i32
    %lt3A_28 = arith.cmpi slt, %select_n3A_22, %lt3A_27 : i32
    %ne3A_29 = arith.xori %lt3A_26, %lt3A_28 : i1
    %and3A_30 = arith.andi %ne3A_29, %ne3A_25 : i1
    %add3A_31 = arith.addi %rem3A_23, %select_n3A_22 : i32
    %select_n3A_32 = arith.select %and3A_30, %add3A_31, %rem3A_23 : i32
    %mul3A_33 = arith.constant 8 : i32
    %mul3A_34 = arith.muli %mul3A_33, %select_n3A_32 : i32
    "tpu.region"() ({
      %run_scoped3A_86 = tpu.sem_alloc : memref<!tpu.dma_semaphore, #tpu.memory_space<semaphore_mem>>
      %dma_start3A = arith.constant 0 : i32
      %dma_start3A_87 = tpu.memref_slice %arg2[%mul3A_34, %select_n3A, %dma_start3A] : memref<64x4x128xi32, #tpu.memory_space<hbm>> -> memref<8x1x128xi32, #tpu.memory_space<hbm>>
      %dma_start3A_88 = arith.constant 0 : i32
      %dma_start3A_89 = tpu.memref_slice %arg2[%mul3A_34, %select_n3A, %dma_start3A_88] : memref<64x4x128xi32, #tpu.memory_space<hbm>> -> memref<8x1x128xi32, #tpu.memory_space<hbm>>
      tpu.enqueue_dma source(%dma_start3A_89 : memref<8x1x128xi32, #tpu.memory_space<hbm>>) target(%arg5 : memref<8x1x128xi32, #tpu.memory_space<vmem>>) target_semaphore(%run_scoped3A_86 : memref<!tpu.dma_semaphore, #tpu.memory_space<semaphore_mem>>)
      %dma_wait3A_90 = arith.constant 0 : i32
      %dma_wait3A_91 = tpu.memref_slice %arg2[%mul3A_34, %select_n3A, %dma_wait3A_90] : memref<64x4x128xi32, #tpu.memory_space<hbm>> -> memref<8x1x128xi32, #tpu.memory_space<hbm>>
      %dma_wait3A_92 = arith.constant 0 : i32
      %dma_wait3A_93 = tpu.memref_slice %arg2[%mul3A_34, %select_n3A, %dma_wait3A_92] : memref<64x4x128xi32, #tpu.memory_space<hbm>> -> memref<8x1x128xi32, #tpu.memory_space<hbm>>
      tpu.wait_dma2 semaphore(%run_scoped3A_86 : memref<!tpu.dma_semaphore, #tpu.memory_space<semaphore_mem>>) src(%dma_wait3A_93 : memref<8x1x128xi32, #tpu.memory_space<hbm>>) dst(%arg5 : memref<8x1x128xi32, #tpu.memory_space<vmem>>)
      tpu.yield
    }) : () -> ()
    %scan3A = arith.constant 0 : i32
    %scan3A_35 = arith.constant 0 : i32
    %scan3A_36 = arith.constant 8 : i32
    %scan3A_37 = arith.addi %scan3A_35, %scan3A_36 : i32
    %scan3A_38 = arith.constant 1 : i32
    scf.for %scan3A_86 = %scan3A_35 to %scan3A_37 step %scan3A_38  : i32 {
      %get3A = arith.constant 0 : i32
      %get3A_87 = arith.index_cast %scan3A_86 : i32 to index
      %get3A_88 = arith.index_cast %get3A : i32 to index
      %get3A_89 = arith.constant 0 : index
      %get3A_90 = tpu.vector_load %arg5[%get3A_87, %get3A_88, %get3A_89] {strides = array<i32>} : memref<8x1x128xi32, #tpu.memory_space<vmem>>, vector<1x1x16xi32>,
      %get3A_91 = vector.shape_cast %get3A_90 : vector<1x1x16xi32> to vector<16xi32>
      %add3A_92 = arith.constant 0 : i32
      %add3A_93 = vector.broadcast %add3A_92 : i32 to vector<16xi32>
      %add3A_94 = arith.addi %get3A_91, %add3A_93 : vector<16xi32>
      %swap3A = arith.constant 0 : i32
      %swap3A_95 = arith.index_cast %swap3A : i32 to index
      %swap3A_96 = arith.index_cast %scan3A_86 : i32 to index
      %swap3A_97 = arith.constant 0 : index
      %swap3A_98 = tpu.vector_load %arg6[%swap3A_95, %swap3A_96, %swap3A_97] {strides = array<i32>} : memref<3x8x128xi32, #tpu.memory_space<vmem>>, vector<1x1x16xi32>,
      %swap3A_99 = vector.shape_cast %swap3A_98 : vector<1x1x16xi32> to vector<16xi32>
      %swap3A_100 = vector.shape_cast %add3A_94 : vector<16xi32> to vector<1x1x16xi32>
      tpu.vector_store %arg6[%swap3A_95, %swap3A_96, %swap3A_97], %swap3A_100 {strides = array<i32>} : memref<3x8x128xi32, #tpu.memory_space<vmem>>, vector<1x1x16xi32>,
      %add3A_101 = arith.constant 50257 : i32
      %add3A_102 = vector.broadcast %add3A_101 : i32 to vector<16xi32>
      %add3A_103 = arith.addi %get3A_91, %add3A_102 : vector<16xi32>
      %swap3A_104 = arith.constant 1 : i32
      %swap3A_105 = arith.index_cast %swap3A_104 : i32 to index
      %swap3A_106 = arith.index_cast %scan3A_86 : i32 to index
      %swap3A_107 = arith.constant 0 : index
      %swap3A_108 = tpu.vector_load %arg6[%swap3A_105, %swap3A_106, %swap3A_107] {strides = array<i32>} : memref<3x8x128xi32, #tpu.memory_space<vmem>>, vector<1x1x16xi32>,
      %swap3A_109 = vector.shape_cast %swap3A_108 : vector<1x1x16xi32> to vector<16xi32>
      %swap3A_110 = vector.shape_cast %add3A_103 : vector<16xi32> to vector<1x1x16xi32>
      tpu.vector_store %arg6[%swap3A_105, %swap3A_106, %swap3A_107], %swap3A_110 {strides = array<i32>} : memref<3x8x128xi32, #tpu.memory_space<vmem>>, vector<1x1x16xi32>,
      %add3A_111 = arith.constant 100514 : i32
      %add3A_112 = vector.broadcast %add3A_111 : i32 to vector<16xi32>
      %add3A_113 = arith.addi %get3A_91, %add3A_112 : vector<16xi32>
      %swap3A_114 = arith.constant 2 : i32
      %swap3A_115 = arith.index_cast %swap3A_114 : i32 to index
      %swap3A_116 = arith.index_cast %scan3A_86 : i32 to index
      %swap3A_117 = arith.constant 0 : index
      %swap3A_118 = tpu.vector_load %arg6[%swap3A_115, %swap3A_116, %swap3A_117] {strides = array<i32>} : memref<3x8x128xi32, #tpu.memory_space<vmem>>, vector<1x1x16xi32>,
      %swap3A_119 = vector.shape_cast %swap3A_118 : vector<1x1x16xi32> to vector<16xi32>
      %swap3A_120 = vector.shape_cast %add3A_113 : vector<16xi32> to vector<1x1x16xi32>
      tpu.vector_store %arg6[%swap3A_115, %swap3A_116, %swap3A_117], %swap3A_120 {strides = array<i32>} : memref<3x8x128xi32, #tpu.memory_space<vmem>>, vector<1x1x16xi32>,
      %get3A_121 = arith.constant 0 : i32
      %get3A_122 = arith.index_cast %scan3A_86 : i32 to index
      %get3A_123 = arith.index_cast %get3A_121 : i32 to index
      %get3A_124 = arith.constant 16 : index
      %get3A_125 = tpu.vector_load %arg5[%get3A_122, %get3A_123, %get3A_124] {strides = array<i32>} : memref<8x1x128xi32, #tpu.memory_space<vmem>>, vector<1x1x16xi32>,
      %get3A_126 = vector.shape_cast %get3A_125 : vector<1x1x16xi32> to vector<16xi32>
      %add3A_127 = arith.constant 0 : i32
      %add3A_128 = vector.broadcast %add3A_127 : i32 to vector<16xi32>
      %add3A_129 = arith.addi %get3A_126, %add3A_128 : vector<16xi32>
      %swap3A_130 = arith.constant 0 : i32
      %swap3A_131 = arith.index_cast %swap3A_130 : i32 to index
      %swap3A_132 = arith.index_cast %scan3A_86 : i32 to index
      %swap3A_133 = arith.constant 16 : index
      %swap3A_134 = tpu.vector_load %arg6[%swap3A_131, %swap3A_132, %swap3A_133] {strides = array<i32>} : memref<3x8x128xi32, #tpu.memory_space<vmem>>, vector<1x1x16xi32>,
      %swap3A_135 = vector.shape_cast %swap3A_134 : vector<1x1x16xi32> to vector<16xi32>
      %swap3A_136 = vector.shape_cast %add3A_129 : vector<16xi32> to vector<1x1x16xi32>
      tpu.vector_store %arg6[%swap3A_131, %swap3A_132, %swap3A_133], %swap3A_136 {strides = array<i32>} : memref<3x8x128xi32, #tpu.memory_space<vmem>>, vector<1x1x16xi32>,
      %add3A_137 = arith.constant 50257 : i32
      %add3A_138 = vector.broadcast %add3A_137 : i32 to vector<16xi32>
      %add3A_139 = arith.addi %get3A_126, %add3A_138 : vector<16xi32>
      %swap3A_140 = arith.constant 1 : i32
      %swap3A_141 = arith.index_cast %swap3A_140 : i32 to index
      %swap3A_142 = arith.index_cast %scan3A_86 : i32 to index
      %swap3A_143 = arith.constant 16 : index
      %swap3A_144 = tpu.vector_load %arg6[%swap3A_141, %swap3A_142, %swap3A_143] {strides = array<i32>} : memref<3x8x128xi32, #tpu.memory_space<vmem>>, vector<1x1x16xi32>,
      %swap3A_145 = vector.shape_cast %swap3A_144 : vector<1x1x16xi32> to vector<16xi32>
      %swap3A_146 = vector.shape_cast %add3A_139 : vector<16xi32> to vector<1x1x16xi32>
      tpu.vector_store %arg6[%swap3A_141, %swap3A_142, %swap3A_143], %swap3A_146 {strides = array<i32>} : memref<3x8x128xi32, #tpu.memory_space<vmem>>, vector<1x1x16xi32>,
      %add3A_147 = arith.constant 100514 : i32
      %add3A_148 = vector.broadcast %add3A_147 : i32 to vector<16xi32>
      %add3A_149 = arith.addi %get3A_126, %add3A_148 : vector<16xi32>
      %swap3A_150 = arith.constant 2 : i32
      %swap3A_151 = arith.index_cast %swap3A_150 : i32 to index
      %swap3A_152 = arith.index_cast %scan3A_86 : i32 to index
      %swap3A_153 = arith.constant 16 : index
      %swap3A_154 = tpu.vector_load %arg6[%swap3A_151, %swap3A_152, %swap3A_153] {strides = array<i32>} : memref<3x8x128xi32, #tpu.memory_space<vmem>>, vector<1x1x16xi32>,
      %swap3A_155 = vector.shape_cast %swap3A_154 : vector<1x1x16xi32> to vector<16xi32>
      %swap3A_156 = vector.shape_cast %add3A_149 : vector<16xi32> to vector<1x1x16xi32>
      tpu.vector_store %arg6[%swap3A_151, %swap3A_152, %swap3A_153], %swap3A_156 {strides = array<i32>} : memref<3x8x128xi32, #tpu.memory_space<vmem>>, vector<1x1x16xi32>,
      %get3A_157 = arith.constant 0 : i32
      %get3A_158 = arith.index_cast %scan3A_86 : i32 to index
      %get3A_159 = arith.index_cast %get3A_157 : i32 to index
      %get3A_160 = arith.constant 32 : index
      %get3A_161 = tpu.vector_load %arg5[%get3A_158, %get3A_159, %get3A_160] {strides = array<i32>} : memref<8x1x128xi32, #tpu.memory_space<vmem>>, vector<1x1x16xi32>,
      %get3A_162 = vector.shape_cast %get3A_161 : vector<1x1x16xi32> to vector<16xi32>
      %add3A_163 = arith.constant 0 : i32
      %add3A_164 = vector.broadcast %add3A_163 : i32 to vector<16xi32>
      %add3A_165 = arith.addi %get3A_162, %add3A_164 : vector<16xi32>
      %swap3A_166 = arith.constant 0 : i32
      %swap3A_167 = arith.index_cast %swap3A_166 : i32 to index
      %swap3A_168 = arith.index_cast %scan3A_86 : i32 to index
      %swap3A_169 = arith.constant 32 : index
      %swap3A_170 = tpu.vector_load %arg6[%swap3A_167, %swap3A_168, %swap3A_169] {strides = array<i32>} : memref<3x8x128xi32, #tpu.memory_space<vmem>>, vector<1x1x16xi32>,
      %swap3A_171 = vector.shape_cast %swap3A_170 : vector<1x1x16xi32> to vector<16xi32>
      %swap3A_172 = vector.shape_cast %add3A_165 : vector<16xi32> to vector<1x1x16xi32>
      tpu.vector_store %arg6[%swap3A_167, %swap3A_168, %swap3A_169], %swap3A_172 {strides = array<i32>} : memref<3x8x128xi32, #tpu.memory_space<vmem>>, vector<1x1x16xi32>,
      %add3A_173 = arith.constant 50257 : i32
      %add3A_174 = vector.broadcast %add3A_173 : i32 to vector<16xi32>
      %add3A_175 = arith.addi %get3A_162, %add3A_174 : vector<16xi32>
      %swap3A_176 = arith.constant 1 : i32
      %swap3A_177 = arith.index_cast %swap3A_176 : i32 to index
      %swap3A_178 = arith.index_cast %scan3A_86 : i32 to index
      %swap3A_179 = arith.constant 32 : index
      %swap3A_180 = tpu.vector_load %arg6[%swap3A_177, %swap3A_178, %swap3A_179] {strides = array<i32>} : memref<3x8x128xi32, #tpu.memory_space<vmem>>, vector<1x1x16xi32>,
      %swap3A_181 = vector.shape_cast %swap3A_180 : vector<1x1x16xi32> to vector<16xi32>
      %swap3A_182 = vector.shape_cast %add3A_175 : vector<16xi32> to vector<1x1x16xi32>
      tpu.vector_store %arg6[%swap3A_177, %swap3A_178, %swap3A_179], %swap3A_182 {strides = array<i32>} : memref<3x8x128xi32, #tpu.memory_space<vmem>>, vector<1x1x16xi32>,
      %add3A_183 = arith.constant 100514 : i32
      %add3A_184 = vector.broadcast %add3A_183 : i32 to vector<16xi32>
      %add3A_185 = arith.addi %get3A_162, %add3A_184 : vector<16xi32>
      %swap3A_186 = arith.constant 2 : i32
      %swap3A_187 = arith.index_cast %swap3A_186 : i32 to index
      %swap3A_188 = arith.index_cast %scan3A_86 : i32 to index
      %swap3A_189 = arith.constant 32 : index
      %swap3A_190 = tpu.vector_load %arg6[%swap3A_187, %swap3A_188, %swap3A_189] {strides = array<i32>} : memref<3x8x128xi32, #tpu.memory_space<vmem>>, vector<1x1x16xi32>,
      %swap3A_191 = vector.shape_cast %swap3A_190 : vector<1x1x16xi32> to vector<16xi32>
      %swap3A_192 = vector.shape_cast %add3A_185 : vector<16xi32> to vector<1x1x16xi32>
      tpu.vector_store %arg6[%swap3A_187, %swap3A_188, %swap3A_189], %swap3A_192 {strides = array<i32>} : memref<3x8x128xi32, #tpu.memory_space<vmem>>, vector<1x1x16xi32>,
      %get3A_193 = arith.constant 0 : i32
      %get3A_194 = arith.index_cast %scan3A_86 : i32 to index
      %get3A_195 = arith.index_cast %get3A_193 : i32 to index
      %get3A_196 = arith.constant 48 : index
      %get3A_197 = tpu.vector_load %arg5[%get3A_194, %get3A_195, %get3A_196] {strides = array<i32>} : memref<8x1x128xi32, #tpu.memory_space<vmem>>, vector<1x1x16xi32>,
      %get3A_198 = vector.shape_cast %get3A_197 : vector<1x1x16xi32> to vector<16xi32>
      %add3A_199 = arith.constant 0 : i32
      %add3A_200 = vector.broadcast %add3A_199 : i32 to vector<16xi32>
      %add3A_201 = arith.addi %get3A_198, %add3A_200 : vector<16xi32>
      %swap3A_202 = arith.constant 0 : i32
      %swap3A_203 = arith.index_cast %swap3A_202 : i32 to index
      %swap3A_204 = arith.index_cast %scan3A_86 : i32 to index
      %swap3A_205 = arith.constant 48 : index
      %swap3A_206 = tpu.vector_load %arg6[%swap3A_203, %swap3A_204, %swap3A_205] {strides = array<i32>} : memref<3x8x128xi32, #tpu.memory_space<vmem>>, vector<1x1x16xi32>,
      %swap3A_207 = vector.shape_cast %swap3A_206 : vector<1x1x16xi32> to vector<16xi32>
      %swap3A_208 = vector.shape_cast %add3A_201 : vector<16xi32> to vector<1x1x16xi32>
      tpu.vector_store %arg6[%swap3A_203, %swap3A_204, %swap3A_205], %swap3A_208 {strides = array<i32>} : memref<3x8x128xi32, #tpu.memory_space<vmem>>, vector<1x1x16xi32>,
      %add3A_209 = arith.constant 50257 : i32
      %add3A_210 = vector.broadcast %add3A_209 : i32 to vector<16xi32>
      %add3A_211 = arith.addi %get3A_198, %add3A_210 : vector<16xi32>
      %swap3A_212 = arith.constant 1 : i32
      %swap3A_213 = arith.index_cast %swap3A_212 : i32 to index
      %swap3A_214 = arith.index_cast %scan3A_86 : i32 to index
      %swap3A_215 = arith.constant 48 : index
      %swap3A_216 = tpu.vector_load %arg6[%swap3A_213, %swap3A_214, %swap3A_215] {strides = array<i32>} : memref<3x8x128xi32, #tpu.memory_space<vmem>>, vector<1x1x16xi32>,
      %swap3A_217 = vector.shape_cast %swap3A_216 : vector<1x1x16xi32> to vector<16xi32>
      %swap3A_218 = vector.shape_cast %add3A_211 : vector<16xi32> to vector<1x1x16xi32>
      tpu.vector_store %arg6[%swap3A_213, %swap3A_214, %swap3A_215], %swap3A_218 {strides = array<i32>} : memref<3x8x128xi32, #tpu.memory_space<vmem>>, vector<1x1x16xi32>,
      %add3A_219 = arith.constant 100514 : i32
      %add3A_220 = vector.broadcast %add3A_219 : i32 to vector<16xi32>
      %add3A_221 = arith.addi %get3A_198, %add3A_220 : vector<16xi32>
      %swap3A_222 = arith.constant 2 : i32
      %swap3A_223 = arith.index_cast %swap3A_222 : i32 to index
      %swap3A_224 = arith.index_cast %scan3A_86 : i32 to index
      %swap3A_225 = arith.constant 48 : index
      %swap3A_226 = tpu.vector_load %arg6[%swap3A_223, %swap3A_224, %swap3A_225] {strides = array<i32>} : memref<3x8x128xi32, #tpu.memory_space<vmem>>, vector<1x1x16xi32>,
      %swap3A_227 = vector.shape_cast %swap3A_226 : vector<1x1x16xi32> to vector<16xi32>
      %swap3A_228 = vector.shape_cast %add3A_221 : vector<16xi32> to vector<1x1x16xi32>
      tpu.vector_store %arg6[%swap3A_223, %swap3A_224, %swap3A_225], %swap3A_228 {strides = array<i32>} : memref<3x8x128xi32, #tpu.memory_space<vmem>>, vector<1x1x16xi32>,
      %get3A_229 = arith.constant 0 : i32
      %get3A_230 = arith.index_cast %scan3A_86 : i32 to index
      %get3A_231 = arith.index_cast %get3A_229 : i32 to index
      %get3A_232 = arith.constant 64 : index
      %get3A_233 = tpu.vector_load %arg5[%get3A_230, %get3A_231, %get3A_232] {strides = array<i32>} : memref<8x1x128xi32, #tpu.memory_space<vmem>>, vector<1x1x16xi32>,
      %get3A_234 = vector.shape_cast %get3A_233 : vector<1x1x16xi32> to vector<16xi32>
      %add3A_235 = arith.constant 0 : i32
      %add3A_236 = vector.broadcast %add3A_235 : i32 to vector<16xi32>
      %add3A_237 = arith.addi %get3A_234, %add3A_236 : vector<16xi32>
      %swap3A_238 = arith.constant 0 : i32
      %swap3A_239 = arith.index_cast %swap3A_238 : i32 to index
      %swap3A_240 = arith.index_cast %scan3A_86 : i32 to index
      %swap3A_241 = arith.constant 64 : index
      %swap3A_242 = tpu.vector_load %arg6[%swap3A_239, %swap3A_240, %swap3A_241] {strides = array<i32>} : memref<3x8x128xi32, #tpu.memory_space<vmem>>, vector<1x1x16xi32>,
      %swap3A_243 = vector.shape_cast %swap3A_242 : vector<1x1x16xi32> to vector<16xi32>
      %swap3A_244 = vector.shape_cast %add3A_237 : vector<16xi32> to vector<1x1x16xi32>
      tpu.vector_store %arg6[%swap3A_239, %swap3A_240, %swap3A_241], %swap3A_244 {strides = array<i32>} : memref<3x8x128xi32, #tpu.memory_space<vmem>>, vector<1x1x16xi32>,
      %add3A_245 = arith.constant 50257 : i32
      %add3A_246 = vector.broadcast %add3A_245 : i32 to vector<16xi32>
      %add3A_247 = arith.addi %get3A_234, %add3A_246 : vector<16xi32>
      %swap3A_248 = arith.constant 1 : i32
      %swap3A_249 = arith.index_cast %swap3A_248 : i32 to index
      %swap3A_250 = arith.index_cast %scan3A_86 : i32 to index
      %swap3A_251 = arith.constant 64 : index
      %swap3A_252 = tpu.vector_load %arg6[%swap3A_249, %swap3A_250, %swap3A_251] {strides = array<i32>} : memref<3x8x128xi32, #tpu.memory_space<vmem>>, vector<1x1x16xi32>,
      %swap3A_253 = vector.shape_cast %swap3A_252 : vector<1x1x16xi32> to vector<16xi32>
      %swap3A_254 = vector.shape_cast %add3A_247 : vector<16xi32> to vector<1x1x16xi32>
      tpu.vector_store %arg6[%swap3A_249, %swap3A_250, %swap3A_251], %swap3A_254 {strides = array<i32>} : memref<3x8x128xi32, #tpu.memory_space<vmem>>, vector<1x1x16xi32>,
      %add3A_255 = arith.constant 100514 : i32
      %add3A_256 = vector.broadcast %add3A_255 : i32 to vector<16xi32>
      %add3A_257 = arith.addi %get3A_234, %add3A_256 : vector<16xi32>
      %swap3A_258 = arith.constant 2 : i32
      %swap3A_259 = arith.index_cast %swap3A_258 : i32 to index
      %swap3A_260 = arith.index_cast %scan3A_86 : i32 to index
      %swap3A_261 = arith.constant 64 : index
      %swap3A_262 = tpu.vector_load %arg6[%swap3A_259, %swap3A_260, %swap3A_261] {strides = array<i32>} : memref<3x8x128xi32, #tpu.memory_space<vmem>>, vector<1x1x16xi32>,
      %swap3A_263 = vector.shape_cast %swap3A_262 : vector<1x1x16xi32> to vector<16xi32>
      %swap3A_264 = vector.shape_cast %add3A_257 : vector<16xi32> to vector<1x1x16xi32>
      tpu.vector_store %arg6[%swap3A_259, %swap3A_260, %swap3A_261], %swap3A_264 {strides = array<i32>} : memref<3x8x128xi32, #tpu.memory_space<vmem>>, vector<1x1x16xi32>,
      %get3A_265 = arith.constant 0 : i32
      %get3A_266 = arith.index_cast %scan3A_86 : i32 to index
      %get3A_267 = arith.index_cast %get3A_265 : i32 to index
      %get3A_268 = arith.constant 80 : index
      %get3A_269 = tpu.vector_load %arg5[%get3A_266, %get3A_267, %get3A_268] {strides = array<i32>} : memref<8x1x128xi32, #tpu.memory_space<vmem>>, vector<1x1x16xi32>,
      %get3A_270 = vector.shape_cast %get3A_269 : vector<1x1x16xi32> to vector<16xi32>
      %add3A_271 = arith.constant 0 : i32
      %add3A_272 = vector.broadcast %add3A_271 : i32 to vector<16xi32>
      %add3A_273 = arith.addi %get3A_270, %add3A_272 : vector<16xi32>
      %swap3A_274 = arith.constant 0 : i32
      %swap3A_275 = arith.index_cast %swap3A_274 : i32 to index
      %swap3A_276 = arith.index_cast %scan3A_86 : i32 to index
      %swap3A_277 = arith.constant 80 : index
      %swap3A_278 = tpu.vector_load %arg6[%swap3A_275, %swap3A_276, %swap3A_277] {strides = array<i32>} : memref<3x8x128xi32, #tpu.memory_space<vmem>>, vector<1x1x16xi32>,
      %swap3A_279 = vector.shape_cast %swap3A_278 : vector<1x1x16xi32> to vector<16xi32>
      %swap3A_280 = vector.shape_cast %add3A_273 : vector<16xi32> to vector<1x1x16xi32>
      tpu.vector_store %arg6[%swap3A_275, %swap3A_276, %swap3A_277], %swap3A_280 {strides = array<i32>} : memref<3x8x128xi32, #tpu.memory_space<vmem>>, vector<1x1x16xi32>,
      %add3A_281 = arith.constant 50257 : i32
      %add3A_282 = vector.broadcast %add3A_281 : i32 to vector<16xi32>
      %add3A_283 = arith.addi %get3A_270, %add3A_282 : vector<16xi32>
      %swap3A_284 = arith.constant 1 : i32
      %swap3A_285 = arith.index_cast %swap3A_284 : i32 to index
      %swap3A_286 = arith.index_cast %scan3A_86 : i32 to index
      %swap3A_287 = arith.constant 80 : index
      %swap3A_288 = tpu.vector_load %arg6[%swap3A_285, %swap3A_286, %swap3A_287] {strides = array<i32>} : memref<3x8x128xi32, #tpu.memory_space<vmem>>, vector<1x1x16xi32>,
      %swap3A_289 = vector.shape_cast %swap3A_288 : vector<1x1x16xi32> to vector<16xi32>
      %swap3A_290 = vector.shape_cast %add3A_283 : vector<16xi32> to vector<1x1x16xi32>
      tpu.vector_store %arg6[%swap3A_285, %swap3A_286, %swap3A_287], %swap3A_290 {strides = array<i32>} : memref<3x8x128xi32, #tpu.memory_space<vmem>>, vector<1x1x16xi32>,
      %add3A_291 = arith.constant 100514 : i32
      %add3A_292 = vector.broadcast %add3A_291 : i32 to vector<16xi32>
      %add3A_293 = arith.addi %get3A_270, %add3A_292 : vector<16xi32>
      %swap3A_294 = arith.constant 2 : i32
      %swap3A_295 = arith.index_cast %swap3A_294 : i32 to index
      %swap3A_296 = arith.index_cast %scan3A_86 : i32 to index
      %swap3A_297 = arith.constant 80 : index
      %swap3A_298 = tpu.vector_load %arg6[%swap3A_295, %swap3A_296, %swap3A_297] {strides = array<i32>} : memref<3x8x128xi32, #tpu.memory_space<vmem>>, vector<1x1x16xi32>,
      %swap3A_299 = vector.shape_cast %swap3A_298 : vector<1x1x16xi32> to vector<16xi32>
      %swap3A_300 = vector.shape_cast %add3A_293 : vector<16xi32> to vector<1x1x16xi32>
      tpu.vector_store %arg6[%swap3A_295, %swap3A_296, %swap3A_297], %swap3A_300 {strides = array<i32>} : memref<3x8x128xi32, #tpu.memory_space<vmem>>, vector<1x1x16xi32>,
      %get3A_301 = arith.constant 0 : i32
      %get3A_302 = arith.index_cast %scan3A_86 : i32 to index
      %get3A_303 = arith.index_cast %get3A_301 : i32 to index
      %get3A_304 = arith.constant 96 : index
      %get3A_305 = tpu.vector_load %arg5[%get3A_302, %get3A_303, %get3A_304] {strides = array<i32>} : memref<8x1x128xi32, #tpu.memory_space<vmem>>, vector<1x1x16xi32>,
      %get3A_306 = vector.shape_cast %get3A_305 : vector<1x1x16xi32> to vector<16xi32>
      %add3A_307 = arith.constant 0 : i32
      %add3A_308 = vector.broadcast %add3A_307 : i32 to vector<16xi32>
      %add3A_309 = arith.addi %get3A_306, %add3A_308 : vector<16xi32>
      %swap3A_310 = arith.constant 0 : i32
      %swap3A_311 = arith.index_cast %swap3A_310 : i32 to index
      %swap3A_312 = arith.index_cast %scan3A_86 : i32 to index
      %swap3A_313 = arith.constant 96 : index
      %swap3A_314 = tpu.vector_load %arg6[%swap3A_311, %swap3A_312, %swap3A_313] {strides = array<i32>} : memref<3x8x128xi32, #tpu.memory_space<vmem>>, vector<1x1x16xi32>,
      %swap3A_315 = vector.shape_cast %swap3A_314 : vector<1x1x16xi32> to vector<16xi32>
      %swap3A_316 = vector.shape_cast %add3A_309 : vector<16xi32> to vector<1x1x16xi32>
      tpu.vector_store %arg6[%swap3A_311, %swap3A_312, %swap3A_313], %swap3A_316 {strides = array<i32>} : memref<3x8x128xi32, #tpu.memory_space<vmem>>, vector<1x1x16xi32>,
      %add3A_317 = arith.constant 50257 : i32
      %add3A_318 = vector.broadcast %add3A_317 : i32 to vector<16xi32>
      %add3A_319 = arith.addi %get3A_306, %add3A_318 : vector<16xi32>
      %swap3A_320 = arith.constant 1 : i32
      %swap3A_321 = arith.index_cast %swap3A_320 : i32 to index
      %swap3A_322 = arith.index_cast %scan3A_86 : i32 to index
      %swap3A_323 = arith.constant 96 : index
      %swap3A_324 = tpu.vector_load %arg6[%swap3A_321, %swap3A_322, %swap3A_323] {strides = array<i32>} : memref<3x8x128xi32, #tpu.memory_space<vmem>>, vector<1x1x16xi32>,
      %swap3A_325 = vector.shape_cast %swap3A_324 : vector<1x1x16xi32> to vector<16xi32>
      %swap3A_326 = vector.shape_cast %add3A_319 : vector<16xi32> to vector<1x1x16xi32>
      tpu.vector_store %arg6[%swap3A_321, %swap3A_322, %swap3A_323], %swap3A_326 {strides = array<i32>} : memref<3x8x128xi32, #tpu.memory_space<vmem>>, vector<1x1x16xi32>,
      %add3A_327 = arith.constant 100514 : i32
      %add3A_328 = vector.broadcast %add3A_327 : i32 to vector<16xi32>
      %add3A_329 = arith.addi %get3A_306, %add3A_328 : vector<16xi32>
      %swap3A_330 = arith.constant 2 : i32
      %swap3A_331 = arith.index_cast %swap3A_330 : i32 to index
      %swap3A_332 = arith.index_cast %scan3A_86 : i32 to index
      %swap3A_333 = arith.constant 96 : index
      %swap3A_334 = tpu.vector_load %arg6[%swap3A_331, %swap3A_332, %swap3A_333] {strides = array<i32>} : memref<3x8x128xi32, #tpu.memory_space<vmem>>, vector<1x1x16xi32>,
      %swap3A_335 = vector.shape_cast %swap3A_334 : vector<1x1x16xi32> to vector<16xi32>
      %swap3A_336 = vector.shape_cast %add3A_329 : vector<16xi32> to vector<1x1x16xi32>
      tpu.vector_store %arg6[%swap3A_331, %swap3A_332, %swap3A_333], %swap3A_336 {strides = array<i32>} : memref<3x8x128xi32, #tpu.memory_space<vmem>>, vector<1x1x16xi32>,
      %get3A_337 = arith.constant 0 : i32
      %get3A_338 = arith.index_cast %scan3A_86 : i32 to index
      %get3A_339 = arith.index_cast %get3A_337 : i32 to index
      %get3A_340 = arith.constant 112 : index
      %get3A_341 = tpu.vector_load %arg5[%get3A_338, %get3A_339, %get3A_340] {strides = array<i32>} : memref<8x1x128xi32, #tpu.memory_space<vmem>>, vector<1x1x16xi32>,
      %get3A_342 = vector.shape_cast %get3A_341 : vector<1x1x16xi32> to vector<16xi32>
      %add3A_343 = arith.constant 0 : i32
      %add3A_344 = vector.broadcast %add3A_343 : i32 to vector<16xi32>
      %add3A_345 = arith.addi %get3A_342, %add3A_344 : vector<16xi32>
      %swap3A_346 = arith.constant 0 : i32
      %swap3A_347 = arith.index_cast %swap3A_346 : i32 to index
      %swap3A_348 = arith.index_cast %scan3A_86 : i32 to index
      %swap3A_349 = arith.constant 112 : index
      %swap3A_350 = tpu.vector_load %arg6[%swap3A_347, %swap3A_348, %swap3A_349] {strides = array<i32>} : memref<3x8x128xi32, #tpu.memory_space<vmem>>, vector<1x1x16xi32>,
      %swap3A_351 = vector.shape_cast %swap3A_350 : vector<1x1x16xi32> to vector<16xi32>
      %swap3A_352 = vector.shape_cast %add3A_345 : vector<16xi32> to vector<1x1x16xi32>
      tpu.vector_store %arg6[%swap3A_347, %swap3A_348, %swap3A_349], %swap3A_352 {strides = array<i32>} : memref<3x8x128xi32, #tpu.memory_space<vmem>>, vector<1x1x16xi32>,
      %add3A_353 = arith.constant 50257 : i32
      %add3A_354 = vector.broadcast %add3A_353 : i32 to vector<16xi32>
      %add3A_355 = arith.addi %get3A_342, %add3A_354 : vector<16xi32>
      %swap3A_356 = arith.constant 1 : i32
      %swap3A_357 = arith.index_cast %swap3A_356 : i32 to index
      %swap3A_358 = arith.index_cast %scan3A_86 : i32 to index
      %swap3A_359 = arith.constant 112 : index
      %swap3A_360 = tpu.vector_load %arg6[%swap3A_357, %swap3A_358, %swap3A_359] {strides = array<i32>} : memref<3x8x128xi32, #tpu.memory_space<vmem>>, vector<1x1x16xi32>,
      %swap3A_361 = vector.shape_cast %swap3A_360 : vector<1x1x16xi32> to vector<16xi32>
      %swap3A_362 = vector.shape_cast %add3A_355 : vector<16xi32> to vector<1x1x16xi32>
      tpu.vector_store %arg6[%swap3A_357, %swap3A_358, %swap3A_359], %swap3A_362 {strides = array<i32>} : memref<3x8x128xi32, #tpu.memory_space<vmem>>, vector<1x1x16xi32>,
      %add3A_363 = arith.constant 100514 : i32
      %add3A_364 = vector.broadcast %add3A_363 : i32 to vector<16xi32>
      %add3A_365 = arith.addi %get3A_342, %add3A_364 : vector<16xi32>
      %swap3A_366 = arith.constant 2 : i32
      %swap3A_367 = arith.index_cast %swap3A_366 : i32 to index
      %swap3A_368 = arith.index_cast %scan3A_86 : i32 to index
      %swap3A_369 = arith.constant 112 : index
      %swap3A_370 = tpu.vector_load %arg6[%swap3A_367, %swap3A_368, %swap3A_369] {strides = array<i32>} : memref<3x8x128xi32, #tpu.memory_space<vmem>>, vector<1x1x16xi32>,
      %swap3A_371 = vector.shape_cast %swap3A_370 : vector<1x1x16xi32> to vector<16xi32>
      %swap3A_372 = vector.shape_cast %add3A_365 : vector<16xi32> to vector<1x1x16xi32>
      tpu.vector_store %arg6[%swap3A_367, %swap3A_368, %swap3A_369], %swap3A_372 {strides = array<i32>} : memref<3x8x128xi32, #tpu.memory_space<vmem>>, vector<1x1x16xi32>,
    }
    %scan3A_39 = arith.constant 8 : i32
    %scan3A_40 = arith.constant 0 : i32
    %scan3A_41 = arith.constant 0 : i32
    %scan3A_42 = arith.constant 8 : i32
    %scan3A_43 = arith.addi %scan3A_41, %scan3A_42 : i32
    %scan3A_44 = arith.constant 1 : i32
    scf.for %scan3A_86 = %scan3A_41 to %scan3A_43 step %scan3A_44  : i32 {
      %mul3A_87 = arith.constant 128 : i32
      %mul3A_88 = arith.muli %mul3A_87, %scan3A_86 : i32
      %dma_start3A = arith.constant 0 : i32
      %dma_start3A_89 = arith.constant 0 : i32
      %dma_start3A_90 = tpu.memref_slice %arg7[%dma_start3A_89, %mul3A_88] : memref<3x1024xf32, #tpu.memory_space<vmem>> -> memref<1x128xf32, #tpu.memory_space<vmem>>
      %dma_start3A_91 = tpu.memref_squeeze %dma_start3A_90 : memref<1x128xf32, #tpu.memory_space<vmem>> -> memref<128xf32, #tpu.memory_space<vmem>>
      %dma_start3A_92 = arith.constant 0 : i32
      %dma_start3A_93 = tpu.memref_slice %arg6[%dma_start3A, %scan3A_86, %dma_start3A_92] : memref<3x8x128xi32, #tpu.memory_space<vmem>> -> memref<1x1x128xi32, #tpu.memory_space<vmem>>
      %dma_start3A_94 = tpu.memref_squeeze %dma_start3A_93 : memref<1x1x128xi32, #tpu.memory_space<vmem>> -> memref<128xi32, #tpu.memory_space<vmem>>
      %dma_start3A_95 = arith.constant 0 : i32
      %dma_start3A_96 = tpu.memref_slice %arg3[%dma_start3A_95] : memref<150771xf32, #tpu.memory_space<hbm>> -> memref<150771xf32, #tpu.memory_space<hbm>>
      tpu.enqueue_indirect_dma source(%dma_start3A_96 : memref<150771xf32, #tpu.memory_space<hbm>>) target(%dma_start3A_91 : memref<128xf32, #tpu.memory_space<vmem>>) offsets(%dma_start3A_94 : memref<128xi32, #tpu.memory_space<vmem>>) semaphore(%arg8 : memref<!tpu.dma_semaphore, #tpu.memory_space<semaphore_mem>>)
      %mul3A_97 = arith.constant 128 : i32
      %mul3A_98 = arith.muli %mul3A_97, %scan3A_86 : i32
      %dma_start3A_99 = arith.constant 1 : i32
      %dma_start3A_100 = arith.constant 1 : i32
      %dma_start3A_101 = tpu.memref_slice %arg7[%dma_start3A_100, %mul3A_98] : memref<3x1024xf32, #tpu.memory_space<vmem>> -> memref<1x128xf32, #tpu.memory_space<vmem>>
      %dma_start3A_102 = tpu.memref_squeeze %dma_start3A_101 : memref<1x128xf32, #tpu.memory_space<vmem>> -> memref<128xf32, #tpu.memory_space<vmem>>
      %dma_start3A_103 = arith.constant 0 : i32
      %dma_start3A_104 = tpu.memref_slice %arg6[%dma_start3A_99, %scan3A_86, %dma_start3A_103] : memref<3x8x128xi32, #tpu.memory_space<vmem>> -> memref<1x1x128xi32, #tpu.memory_space<vmem>>
      %dma_start3A_105 = tpu.memref_squeeze %dma_start3A_104 : memref<1x1x128xi32, #tpu.memory_space<vmem>> -> memref<128xi32, #tpu.memory_space<vmem>>
      %dma_start3A_106 = arith.constant 0 : i32
      %dma_start3A_107 = tpu.memref_slice %arg3[%dma_start3A_106] : memref<150771xf32, #tpu.memory_space<hbm>> -> memref<150771xf32, #tpu.memory_space<hbm>>
      tpu.enqueue_indirect_dma source(%dma_start3A_107 : memref<150771xf32, #tpu.memory_space<hbm>>) target(%dma_start3A_102 : memref<128xf32, #tpu.memory_space<vmem>>) offsets(%dma_start3A_105 : memref<128xi32, #tpu.memory_space<vmem>>) semaphore(%arg8 : memref<!tpu.dma_semaphore, #tpu.memory_space<semaphore_mem>>)
      %mul3A_108 = arith.constant 128 : i32
      %mul3A_109 = arith.muli %mul3A_108, %scan3A_86 : i32
      %dma_start3A_110 = arith.constant 2 : i32
      %dma_start3A_111 = arith.constant 2 : i32
      %dma_start3A_112 = tpu.memref_slice %arg7[%dma_start3A_111, %mul3A_109] : memref<3x1024xf32, #tpu.memory_space<vmem>> -> memref<1x128xf32, #tpu.memory_space<vmem>>
      %dma_start3A_113 = tpu.memref_squeeze %dma_start3A_112 : memref<1x128xf32, #tpu.memory_space<vmem>> -> memref<128xf32, #tpu.memory_space<vmem>>
      %dma_start3A_114 = arith.constant 0 : i32
      %dma_start3A_115 = tpu.memref_slice %arg6[%dma_start3A_110, %scan3A_86, %dma_start3A_114] : memref<3x8x128xi32, #tpu.memory_space<vmem>> -> memref<1x1x128xi32, #tpu.memory_space<vmem>>
      %dma_start3A_116 = tpu.memref_squeeze %dma_start3A_115 : memref<1x1x128xi32, #tpu.memory_space<vmem>> -> memref<128xi32, #tpu.memory_space<vmem>>
      %dma_start3A_117 = arith.constant 0 : i32
      %dma_start3A_118 = tpu.memref_slice %arg3[%dma_start3A_117] : memref<150771xf32, #tpu.memory_space<hbm>> -> memref<150771xf32, #tpu.memory_space<hbm>>
      tpu.enqueue_indirect_dma source(%dma_start3A_118 : memref<150771xf32, #tpu.memory_space<hbm>>) target(%dma_start3A_113 : memref<128xf32, #tpu.memory_space<vmem>>) offsets(%dma_start3A_116 : memref<128xi32, #tpu.memory_space<vmem>>) semaphore(%arg8 : memref<!tpu.dma_semaphore, #tpu.memory_space<semaphore_mem>>)
    }
    %scan3A_45 = arith.constant 8 : i32
    %dma_wait3A = arith.constant 0 : i32
    %dma_wait3A_46 = arith.constant 0 : i32
    %dma_wait3A_47 = tpu.memref_slice %arg7[%dma_wait3A, %dma_wait3A_46] : memref<3x1024xf32, #tpu.memory_space<vmem>> -> memref<1x1024xf32, #tpu.memory_space<vmem>>
    %dma_wait3A_48 = tpu.memref_squeeze %dma_wait3A_47 : memref<1x1024xf32, #tpu.memory_space<vmem>> -> memref<1024xf32, #tpu.memory_space<vmem>>
    %dma_wait3A_49 = arith.constant 0 : i32
    %dma_wait3A_50 = tpu.memref_slice %arg3[%dma_wait3A_49] : memref<150771xf32, #tpu.memory_space<hbm>> -> memref<1024xf32, #tpu.memory_space<hbm>>
    %dma_wait3A_51 = arith.constant 0 : i32
    %dma_wait3A_52 = tpu.memref_slice %arg7[%dma_wait3A, %dma_wait3A_51] : memref<3x1024xf32, #tpu.memory_space<vmem>> -> memref<1x1024xf32, #tpu.memory_space<vmem>>
    %dma_wait3A_53 = tpu.memref_squeeze %dma_wait3A_52 : memref<1x1024xf32, #tpu.memory_space<vmem>> -> memref<1024xf32, #tpu.memory_space<vmem>>
    %dma_wait3A_54 = arith.constant 0 : i32
    %dma_wait3A_55 = tpu.memref_slice %arg3[%dma_wait3A_54] : memref<150771xf32, #tpu.memory_space<hbm>> -> memref<1024xf32, #tpu.memory_space<hbm>>
    tpu.wait_dma2 semaphore(%arg8 : memref<!tpu.dma_semaphore, #tpu.memory_space<semaphore_mem>>) src(%dma_wait3A_55 : memref<1024xf32, #tpu.memory_space<hbm>>) dst(%dma_wait3A_53 : memref<1024xf32, #tpu.memory_space<vmem>>)
    %dma_wait3A_56 = arith.constant 1 : i32
    %dma_wait3A_57 = arith.constant 0 : i32
    %dma_wait3A_58 = tpu.memref_slice %arg7[%dma_wait3A_56, %dma_wait3A_57] : memref<3x1024xf32, #tpu.memory_space<vmem>> -> memref<1x1024xf32, #tpu.memory_space<vmem>>
    %dma_wait3A_59 = tpu.memref_squeeze %dma_wait3A_58 : memref<1x1024xf32, #tpu.memory_space<vmem>> -> memref<1024xf32, #tpu.memory_space<vmem>>
    %dma_wait3A_60 = arith.constant 0 : i32
    %dma_wait3A_61 = tpu.memref_slice %arg3[%dma_wait3A_60] : memref<150771xf32, #tpu.memory_space<hbm>> -> memref<1024xf32, #tpu.memory_space<hbm>>
    %dma_wait3A_62 = arith.constant 0 : i32
    %dma_wait3A_63 = tpu.memref_slice %arg7[%dma_wait3A_56, %dma_wait3A_62] : memref<3x1024xf32, #tpu.memory_space<vmem>> -> memref<1x1024xf32, #tpu.memory_space<vmem>>
    %dma_wait3A_64 = tpu.memref_squeeze %dma_wait3A_63 : memref<1x1024xf32, #tpu.memory_space<vmem>> -> memref<1024xf32, #tpu.memory_space<vmem>>
    %dma_wait3A_65 = arith.constant 0 : i32
    %dma_wait3A_66 = tpu.memref_slice %arg3[%dma_wait3A_65] : memref<150771xf32, #tpu.memory_space<hbm>> -> memref<1024xf32, #tpu.memory_space<hbm>>
    tpu.wait_dma2 semaphore(%arg8 : memref<!tpu.dma_semaphore, #tpu.memory_space<semaphore_mem>>) src(%dma_wait3A_66 : memref<1024xf32, #tpu.memory_space<hbm>>) dst(%dma_wait3A_64 : memref<1024xf32, #tpu.memory_space<vmem>>)
    %dma_wait3A_67 = arith.constant 2 : i32
    %dma_wait3A_68 = arith.constant 0 : i32
    %dma_wait3A_69 = tpu.memref_slice %arg7[%dma_wait3A_67, %dma_wait3A_68] : memref<3x1024xf32, #tpu.memory_space<vmem>> -> memref<1x1024xf32, #tpu.memory_space<vmem>>
    %dma_wait3A_70 = tpu.memref_squeeze %dma_wait3A_69 : memref<1x1024xf32, #tpu.memory_space<vmem>> -> memref<1024xf32, #tpu.memory_space<vmem>>
    %dma_wait3A_71 = arith.constant 0 : i32
    %dma_wait3A_72 = tpu.memref_slice %arg3[%dma_wait3A_71] : memref<150771xf32, #tpu.memory_space<hbm>> -> memref<1024xf32, #tpu.memory_space<hbm>>
    %dma_wait3A_73 = arith.constant 0 : i32
    %dma_wait3A_74 = tpu.memref_slice %arg7[%dma_wait3A_67, %dma_wait3A_73] : memref<3x1024xf32, #tpu.memory_space<vmem>> -> memref<1x1024xf32, #tpu.memory_space<vmem>>
    %dma_wait3A_75 = tpu.memref_squeeze %dma_wait3A_74 : memref<1x1024xf32, #tpu.memory_space<vmem>> -> memref<1024xf32, #tpu.memory_space<vmem>>
    %dma_wait3A_76 = arith.constant 0 : i32
    %dma_wait3A_77 = tpu.memref_slice %arg3[%dma_wait3A_76] : memref<150771xf32, #tpu.memory_space<hbm>> -> memref<1024xf32, #tpu.memory_space<hbm>>
    tpu.wait_dma2 semaphore(%arg8 : memref<!tpu.dma_semaphore, #tpu.memory_space<semaphore_mem>>) src(%dma_wait3A_77 : memref<1024xf32, #tpu.memory_space<hbm>>) dst(%dma_wait3A_75 : memref<1024xf32, #tpu.memory_space<vmem>>)
    %add3A_78 = arith.constant 0 : i32
    %add3A_79 = arith.addi %add3A_78, %mul3A_2 : i32
    %run_scoped3A = arith.constant 0 : i32
    "tpu.region"() ({
      %run_scoped3A_86 = tpu.sem_alloc : memref<!tpu.dma_semaphore, #tpu.memory_space<semaphore_mem>>
      %dma_start3A = arith.constant 0 : i32
      %dma_start3A_87 = tpu.memref_slice %arg7[%run_scoped3A, %dma_start3A] : memref<3x1024xf32, #tpu.memory_space<vmem>> -> memref<1x1024xf32, #tpu.memory_space<vmem>>
      %dma_start3A_88 = tpu.memref_squeeze %dma_start3A_87 : memref<1x1024xf32, #tpu.memory_space<vmem>> -> memref<1024xf32, #tpu.memory_space<vmem>>
      %dma_start3A_89 = tpu.memref_slice %arg4[%add3A_79] : memref<98304xf32, #tpu.memory_space<hbm>> -> memref<1024xf32, #tpu.memory_space<hbm>>
      %dma_start3A_90 = tpu.memref_slice %arg4[%add3A_79] : memref<98304xf32, #tpu.memory_space<hbm>> -> memref<1024xf32, #tpu.memory_space<hbm>>
      %dma_start3A_91 = arith.constant 0 : i32
      %dma_start3A_92 = tpu.memref_slice %arg7[%run_scoped3A, %dma_start3A_91] : memref<3x1024xf32, #tpu.memory_space<vmem>> -> memref<1x1024xf32, #tpu.memory_space<vmem>>
      %dma_start3A_93 = tpu.memref_squeeze %dma_start3A_92 : memref<1x1024xf32, #tpu.memory_space<vmem>> -> memref<1024xf32, #tpu.memory_space<vmem>>
      tpu.enqueue_dma source(%dma_start3A_93 : memref<1024xf32, #tpu.memory_space<vmem>>) target(%dma_start3A_90 : memref<1024xf32, #tpu.memory_space<hbm>>) target_semaphore(%run_scoped3A_86 : memref<!tpu.dma_semaphore, #tpu.memory_space<semaphore_mem>>)
      %dma_wait3A_94 = arith.constant 0 : i32
      %dma_wait3A_95 = tpu.memref_slice %arg7[%run_scoped3A, %dma_wait3A_94] : memref<3x1024xf32, #tpu.memory_space<vmem>> -> memref<1x1024xf32, #tpu.memory_space<vmem>>
      %dma_wait3A_96 = tpu.memref_squeeze %dma_wait3A_95 : memref<1x1024xf32, #tpu.memory_space<vmem>> -> memref<1024xf32, #tpu.memory_space<vmem>>
      %dma_wait3A_97 = tpu.memref_slice %arg4[%add3A_79] : memref<98304xf32, #tpu.memory_space<hbm>> -> memref<1024xf32, #tpu.memory_space<hbm>>
      %dma_wait3A_98 = tpu.memref_slice %arg4[%add3A_79] : memref<98304xf32, #tpu.memory_space<hbm>> -> memref<1024xf32, #tpu.memory_space<hbm>>
      %dma_wait3A_99 = arith.constant 0 : i32
      %dma_wait3A_100 = tpu.memref_slice %arg7[%run_scoped3A, %dma_wait3A_99] : memref<3x1024xf32, #tpu.memory_space<vmem>> -> memref<1x1024xf32, #tpu.memory_space<vmem>>
      %dma_wait3A_101 = tpu.memref_squeeze %dma_wait3A_100 : memref<1x1024xf32, #tpu.memory_space<vmem>> -> memref<1024xf32, #tpu.memory_space<vmem>>
      tpu.wait_dma2 semaphore(%run_scoped3A_86 : memref<!tpu.dma_semaphore, #tpu.memory_space<semaphore_mem>>) src(%dma_wait3A_101 : memref<1024xf32, #tpu.memory_space<vmem>>) dst(%dma_wait3A_98 : memref<1024xf32, #tpu.memory_space<hbm>>)
      tpu.yield
    }) : () -> ()
    %add3A_80 = arith.constant 32768 : i32
    %add3A_81 = arith.addi %add3A_80, %mul3A_2 : i32
    %run_scoped3A_82 = arith.constant 1 : i32
    "tpu.region"() ({
      %run_scoped3A_86 = tpu.sem_alloc : memref<!tpu.dma_semaphore, #tpu.memory_space<semaphore_mem>>
      %dma_start3A = arith.constant 0 : i32
      %dma_start3A_87 = tpu.memref_slice %arg7[%run_scoped3A_82, %dma_start3A] : memref<3x1024xf32, #tpu.memory_space<vmem>> -> memref<1x1024xf32, #tpu.memory_space<vmem>>
      %dma_start3A_88 = tpu.memref_squeeze %dma_start3A_87 : memref<1x1024xf32, #tpu.memory_space<vmem>> -> memref<1024xf32, #tpu.memory_space<vmem>>
      %dma_start3A_89 = tpu.memref_slice %arg4[%add3A_81] : memref<98304xf32, #tpu.memory_space<hbm>> -> memref<1024xf32, #tpu.memory_space<hbm>>
      %dma_start3A_90 = tpu.memref_slice %arg4[%add3A_81] : memref<98304xf32, #tpu.memory_space<hbm>> -> memref<1024xf32, #tpu.memory_space<hbm>>
      %dma_start3A_91 = arith.constant 0 : i32
      %dma_start3A_92 = tpu.memref_slice %arg7[%run_scoped3A_82, %dma_start3A_91] : memref<3x1024xf32, #tpu.memory_space<vmem>> -> memref<1x1024xf32, #tpu.memory_space<vmem>>
      %dma_start3A_93 = tpu.memref_squeeze %dma_start3A_92 : memref<1x1024xf32, #tpu.memory_space<vmem>> -> memref<1024xf32, #tpu.memory_space<vmem>>
      tpu.enqueue_dma source(%dma_start3A_93 : memref<1024xf32, #tpu.memory_space<vmem>>) target(%dma_start3A_90 : memref<1024xf32, #tpu.memory_space<hbm>>) target_semaphore(%run_scoped3A_86 : memref<!tpu.dma_semaphore, #tpu.memory_space<semaphore_mem>>)
      %dma_wait3A_94 = arith.constant 0 : i32
      %dma_wait3A_95 = tpu.memref_slice %arg7[%run_scoped3A_82, %dma_wait3A_94] : memref<3x1024xf32, #tpu.memory_space<vmem>> -> memref<1x1024xf32, #tpu.memory_space<vmem>>
      %dma_wait3A_96 = tpu.memref_squeeze %dma_wait3A_95 : memref<1x1024xf32, #tpu.memory_space<vmem>> -> memref<1024xf32, #tpu.memory_space<vmem>>
      %dma_wait3A_97 = tpu.memref_slice %arg4[%add3A_81] : memref<98304xf32, #tpu.memory_space<hbm>> -> memref<1024xf32, #tpu.memory_space<hbm>>
      %dma_wait3A_98 = tpu.memref_slice %arg4[%add3A_81] : memref<98304xf32, #tpu.memory_space<hbm>> -> memref<1024xf32, #tpu.memory_space<hbm>>
      %dma_wait3A_99 = arith.constant 0 : i32
      %dma_wait3A_100 = tpu.memref_slice %arg7[%run_scoped3A_82, %dma_wait3A_99] : memref<3x1024xf32, #tpu.memory_space<vmem>> -> memref<1x1024xf32, #tpu.memory_space<vmem>>
      %dma_wait3A_101 = tpu.memref_squeeze %dma_wait3A_100 : memref<1x1024xf32, #tpu.memory_space<vmem>> -> memref<1024xf32, #tpu.memory_space<vmem>>
      tpu.wait_dma2 semaphore(%run_scoped3A_86 : memref<!tpu.dma_semaphore, #tpu.memory_space<semaphore_mem>>) src(%dma_wait3A_101 : memref<1024xf32, #tpu.memory_space<vmem>>) dst(%dma_wait3A_98 : memref<1024xf32, #tpu.memory_space<hbm>>)
      tpu.yield
    }) : () -> ()
    %add3A_83 = arith.constant 65536 : i32
    %add3A_84 = arith.addi %add3A_83, %mul3A_2 : i32
    %run_scoped3A_85 = arith.constant 2 : i32
    "tpu.region"() ({
      %run_scoped3A_86 = tpu.sem_alloc : memref<!tpu.dma_semaphore, #tpu.memory_space<semaphore_mem>>
      %dma_start3A = arith.constant 0 : i32
      %dma_start3A_87 = tpu.memref_slice %arg7[%run_scoped3A_85, %dma_start3A] : memref<3x1024xf32, #tpu.memory_space<vmem>> -> memref<1x1024xf32, #tpu.memory_space<vmem>>
      %dma_start3A_88 = tpu.memref_squeeze %dma_start3A_87 : memref<1x1024xf32, #tpu.memory_space<vmem>> -> memref<1024xf32, #tpu.memory_space<vmem>>
      %dma_start3A_89 = tpu.memref_slice %arg4[%add3A_84] : memref<98304xf32, #tpu.memory_space<hbm>> -> memref<1024xf32, #tpu.memory_space<hbm>>
      %dma_start3A_90 = tpu.memref_slice %arg4[%add3A_84] : memref<98304xf32, #tpu.memory_space<hbm>> -> memref<1024xf32, #tpu.memory_space<hbm>>
      %dma_start3A_91 = arith.constant 0 : i32
      %dma_start3A_92 = tpu.memref_slice %arg7[%run_scoped3A_85, %dma_start3A_91] : memref<3x1024xf32, #tpu.memory_space<vmem>> -> memref<1x1024xf32, #tpu.memory_space<vmem>>
      %dma_start3A_93 = tpu.memref_squeeze %dma_start3A_92 : memref<1x1024xf32, #tpu.memory_space<vmem>> -> memref<1024xf32, #tpu.memory_space<vmem>>
      tpu.enqueue_dma source(%dma_start3A_93 : memref<1024xf32, #tpu.memory_space<vmem>>) target(%dma_start3A_90 : memref<1024xf32, #tpu.memory_space<hbm>>) target_semaphore(%run_scoped3A_86 : memref<!tpu.dma_semaphore, #tpu.memory_space<semaphore_mem>>)
      %dma_wait3A_94 = arith.constant 0 : i32
      %dma_wait3A_95 = tpu.memref_slice %arg7[%run_scoped3A_85, %dma_wait3A_94] : memref<3x1024xf32, #tpu.memory_space<vmem>> -> memref<1x1024xf32, #tpu.memory_space<vmem>>
      %dma_wait3A_96 = tpu.memref_squeeze %dma_wait3A_95 : memref<1x1024xf32, #tpu.memory_space<vmem>> -> memref<1024xf32, #tpu.memory_space<vmem>>
      %dma_wait3A_97 = tpu.memref_slice %arg4[%add3A_84] : memref<98304xf32, #tpu.memory_space<hbm>> -> memref<1024xf32, #tpu.memory_space<hbm>>
      %dma_wait3A_98 = tpu.memref_slice %arg4[%add3A_84] : memref<98304xf32, #tpu.memory_space<hbm>> -> memref<1024xf32, #tpu.memory_space<hbm>>
      %dma_wait3A_99 = arith.constant 0 : i32
      %dma_wait3A_100 = tpu.memref_slice %arg7[%run_scoped3A_85, %dma_wait3A_99] : memref<3x1024xf32, #tpu.memory_space<vmem>> -> memref<1x1024xf32, #tpu.memory_space<vmem>>
      %dma_wait3A_101 = tpu.memref_squeeze %dma_wait3A_100 : memref<1x1024xf32, #tpu.memory_space<vmem>> -> memref<1024xf32, #tpu.memory_space<vmem>>
      tpu.wait_dma2 semaphore(%run_scoped3A_86 : memref<!tpu.dma_semaphore, #tpu.memory_space<semaphore_mem>>) src(%dma_wait3A_101 : memref<1024xf32, #tpu.memory_space<vmem>>) dst(%dma_wait3A_98 : memref<1024xf32, #tpu.memory_space<hbm>>)
      tpu.yield
    }) : () -> ()
    return
  }
}

module attributes {stable_mosaic.version = 14 : i64} {
  func.func @_tc_pad_body(%arg0: i32, %arg1: memref<1x1xf32, #tpu.memory_space<smem>>, %arg2: memref<2x8x128xf32, #tpu.memory_space<vmem>>, %arg3: memref<2x8x128xf32, #tpu.memory_space<vmem>>, %arg4: memref<2x8x128xf32, #tpu.memory_space<vmem>>, %arg5: memref<2048x768xf32, #tpu.memory_space<vmem>>) attributes {dimension_semantics = [#tpu.dimension_semantics<arbitrary>], iteration_bounds = array<i64: 16>, scalar_prefetch = 0 : i64, scratch_operands = 0 : i64, tpu.core_type = #tpu.core_type<tc>, window_params = [{transform_indices = @transform_0, window_bounds = array<i64: 1, 1>}, {transform_indices = @transform_1, window_bounds = array<i64: 2, 8, 128>}, {transform_indices = @transform_2, window_bounds = array<i64: 2, 8, 128>}, {transform_indices = @transform_3, window_bounds = array<i64: 2, 8, 128>}, {transform_indices = @transform_4, window_bounds = array<i64: 2048, 768>}]} {
    %get3A = arith.constant 0 : index
    %get3A_0 = arith.constant 0 : index
    %get3A_1 = memref.load %arg1[%get3A, %get3A_0] : memref<1x1xf32, #tpu.memory_space<smem>>
    %broadcast_in_dim3A = arith.constant 0.000000e+00 : f32
    %broadcast_in_dim3A_2 = vector.broadcast %broadcast_in_dim3A : f32 to vector<2048x768xf32>
    %swap3A = arith.constant 0 : index
    %swap3A_3 = arith.constant 0 : index
    %swap3A_4 = vector.load %arg5[%swap3A, %swap3A_3] : memref<2048x768xf32, #tpu.memory_space<vmem>>, vector<2048x768xf32>
    tpu.vector_store %arg5[%swap3A, %swap3A_3], %broadcast_in_dim3A_2 {strides = array<i32>} : memref<2048x768xf32, #tpu.memory_space<vmem>>, vector<2048x768xf32>,
    %get3A_5 = arith.constant 0 : index
    %get3A_6 = arith.constant 0 : index
    %get3A_7 = arith.constant 0 : index
    %get3A_8 = vector.load %arg2[%get3A_5, %get3A_6, %get3A_7] : memref<2x8x128xf32, #tpu.memory_space<vmem>>, vector<1x8x128xf32>
    %get3A_9 = vector.shape_cast %get3A_8 : vector<1x8x128xf32> to vector<8x128xf32>
    %transpose3A = tpu.transpose %get3A_9, [1, 0] : vector<8x128xf32> -> vector<128x8xf32>
    %mul3A = vector.broadcast %get3A_1 : f32 to vector<128x8xf32>
    %mul3A_10 = arith.mulf %transpose3A, %mul3A : vector<128x8xf32>
    %slice3A = vector.extract_strided_slice %mul3A_10 {offsets = [0, 0], sizes = [128, 1], strides = [1, 1]} : vector<128x8xf32> to vector<128x1xf32>
    %swap3A_11 = arith.constant 0 : index
    %swap3A_12 = arith.constant 0 : index
    %swap3A_13 = vector.load %arg5[%swap3A_11, %swap3A_12] : memref<2048x768xf32, #tpu.memory_space<vmem>>, vector<128x1xf32>
    tpu.vector_store %arg5[%swap3A_11, %swap3A_12], %slice3A {strides = array<i32>} : memref<2048x768xf32, #tpu.memory_space<vmem>>, vector<128x1xf32>,
    %slice3A_14 = vector.extract_strided_slice %mul3A_10 {offsets = [0, 1], sizes = [128, 1], strides = [1, 1]} : vector<128x8xf32> to vector<128x1xf32>
    %swap3A_15 = arith.constant 128 : index
    %swap3A_16 = arith.constant 0 : index
    %swap3A_17 = vector.load %arg5[%swap3A_15, %swap3A_16] : memref<2048x768xf32, #tpu.memory_space<vmem>>, vector<128x1xf32>
    tpu.vector_store %arg5[%swap3A_15, %swap3A_16], %slice3A_14 {strides = array<i32>} : memref<2048x768xf32, #tpu.memory_space<vmem>>, vector<128x1xf32>,
    %slice3A_18 = vector.extract_strided_slice %mul3A_10 {offsets = [0, 2], sizes = [128, 1], strides = [1, 1]} : vector<128x8xf32> to vector<128x1xf32>
    %swap3A_19 = arith.constant 256 : index
    %swap3A_20 = arith.constant 0 : index
    %swap3A_21 = vector.load %arg5[%swap3A_19, %swap3A_20] : memref<2048x768xf32, #tpu.memory_space<vmem>>, vector<128x1xf32>
    tpu.vector_store %arg5[%swap3A_19, %swap3A_20], %slice3A_18 {strides = array<i32>} : memref<2048x768xf32, #tpu.memory_space<vmem>>, vector<128x1xf32>,
    %slice3A_22 = vector.extract_strided_slice %mul3A_10 {offsets = [0, 3], sizes = [128, 1], strides = [1, 1]} : vector<128x8xf32> to vector<128x1xf32>
    %swap3A_23 = arith.constant 384 : index
    %swap3A_24 = arith.constant 0 : index
    %swap3A_25 = vector.load %arg5[%swap3A_23, %swap3A_24] : memref<2048x768xf32, #tpu.memory_space<vmem>>, vector<128x1xf32>
    tpu.vector_store %arg5[%swap3A_23, %swap3A_24], %slice3A_22 {strides = array<i32>} : memref<2048x768xf32, #tpu.memory_space<vmem>>, vector<128x1xf32>,
    %slice3A_26 = vector.extract_strided_slice %mul3A_10 {offsets = [0, 4], sizes = [128, 1], strides = [1, 1]} : vector<128x8xf32> to vector<128x1xf32>
    %swap3A_27 = arith.constant 512 : index
    %swap3A_28 = arith.constant 0 : index
    %swap3A_29 = vector.load %arg5[%swap3A_27, %swap3A_28] : memref<2048x768xf32, #tpu.memory_space<vmem>>, vector<128x1xf32>
    tpu.vector_store %arg5[%swap3A_27, %swap3A_28], %slice3A_26 {strides = array<i32>} : memref<2048x768xf32, #tpu.memory_space<vmem>>, vector<128x1xf32>,
    %slice3A_30 = vector.extract_strided_slice %mul3A_10 {offsets = [0, 5], sizes = [128, 1], strides = [1, 1]} : vector<128x8xf32> to vector<128x1xf32>
    %swap3A_31 = arith.constant 640 : index
    %swap3A_32 = arith.constant 0 : index
    %swap3A_33 = vector.load %arg5[%swap3A_31, %swap3A_32] : memref<2048x768xf32, #tpu.memory_space<vmem>>, vector<128x1xf32>
    tpu.vector_store %arg5[%swap3A_31, %swap3A_32], %slice3A_30 {strides = array<i32>} : memref<2048x768xf32, #tpu.memory_space<vmem>>, vector<128x1xf32>,
    %slice3A_34 = vector.extract_strided_slice %mul3A_10 {offsets = [0, 6], sizes = [128, 1], strides = [1, 1]} : vector<128x8xf32> to vector<128x1xf32>
    %swap3A_35 = arith.constant 768 : index
    %swap3A_36 = arith.constant 0 : index
    %swap3A_37 = vector.load %arg5[%swap3A_35, %swap3A_36] : memref<2048x768xf32, #tpu.memory_space<vmem>>, vector<128x1xf32>
    tpu.vector_store %arg5[%swap3A_35, %swap3A_36], %slice3A_34 {strides = array<i32>} : memref<2048x768xf32, #tpu.memory_space<vmem>>, vector<128x1xf32>,
    %slice3A_38 = vector.extract_strided_slice %mul3A_10 {offsets = [0, 7], sizes = [128, 1], strides = [1, 1]} : vector<128x8xf32> to vector<128x1xf32>
    %swap3A_39 = arith.constant 896 : index
    %swap3A_40 = arith.constant 0 : index
    %swap3A_41 = vector.load %arg5[%swap3A_39, %swap3A_40] : memref<2048x768xf32, #tpu.memory_space<vmem>>, vector<128x1xf32>
    tpu.vector_store %arg5[%swap3A_39, %swap3A_40], %slice3A_38 {strides = array<i32>} : memref<2048x768xf32, #tpu.memory_space<vmem>>, vector<128x1xf32>,
    %get3A_42 = arith.constant 1 : index
    %get3A_43 = arith.constant 0 : index
    %get3A_44 = arith.constant 0 : index
    %get3A_45 = vector.load %arg2[%get3A_42, %get3A_43, %get3A_44] : memref<2x8x128xf32, #tpu.memory_space<vmem>>, vector<1x8x128xf32>
    %get3A_46 = vector.shape_cast %get3A_45 : vector<1x8x128xf32> to vector<8x128xf32>
    %transpose3A_47 = tpu.transpose %get3A_46, [1, 0] : vector<8x128xf32> -> vector<128x8xf32>
    %mul3A_48 = vector.broadcast %get3A_1 : f32 to vector<128x8xf32>
    %mul3A_49 = arith.mulf %transpose3A_47, %mul3A_48 : vector<128x8xf32>
    %slice3A_50 = vector.extract_strided_slice %mul3A_49 {offsets = [0, 0], sizes = [128, 1], strides = [1, 1]} : vector<128x8xf32> to vector<128x1xf32>
    %swap3A_51 = arith.constant 1024 : index
    %swap3A_52 = arith.constant 0 : index
    %swap3A_53 = vector.load %arg5[%swap3A_51, %swap3A_52] : memref<2048x768xf32, #tpu.memory_space<vmem>>, vector<128x1xf32>
    tpu.vector_store %arg5[%swap3A_51, %swap3A_52], %slice3A_50 {strides = array<i32>} : memref<2048x768xf32, #tpu.memory_space<vmem>>, vector<128x1xf32>,
    %slice3A_54 = vector.extract_strided_slice %mul3A_49 {offsets = [0, 1], sizes = [128, 1], strides = [1, 1]} : vector<128x8xf32> to vector<128x1xf32>
    %swap3A_55 = arith.constant 1152 : index
    %swap3A_56 = arith.constant 0 : index
    %swap3A_57 = vector.load %arg5[%swap3A_55, %swap3A_56] : memref<2048x768xf32, #tpu.memory_space<vmem>>, vector<128x1xf32>
    tpu.vector_store %arg5[%swap3A_55, %swap3A_56], %slice3A_54 {strides = array<i32>} : memref<2048x768xf32, #tpu.memory_space<vmem>>, vector<128x1xf32>,
    %slice3A_58 = vector.extract_strided_slice %mul3A_49 {offsets = [0, 2], sizes = [128, 1], strides = [1, 1]} : vector<128x8xf32> to vector<128x1xf32>
    %swap3A_59 = arith.constant 1280 : index
    %swap3A_60 = arith.constant 0 : index
    %swap3A_61 = vector.load %arg5[%swap3A_59, %swap3A_60] : memref<2048x768xf32, #tpu.memory_space<vmem>>, vector<128x1xf32>
    tpu.vector_store %arg5[%swap3A_59, %swap3A_60], %slice3A_58 {strides = array<i32>} : memref<2048x768xf32, #tpu.memory_space<vmem>>, vector<128x1xf32>,
    %slice3A_62 = vector.extract_strided_slice %mul3A_49 {offsets = [0, 3], sizes = [128, 1], strides = [1, 1]} : vector<128x8xf32> to vector<128x1xf32>
    %swap3A_63 = arith.constant 1408 : index
    %swap3A_64 = arith.constant 0 : index
    %swap3A_65 = vector.load %arg5[%swap3A_63, %swap3A_64] : memref<2048x768xf32, #tpu.memory_space<vmem>>, vector<128x1xf32>
    tpu.vector_store %arg5[%swap3A_63, %swap3A_64], %slice3A_62 {strides = array<i32>} : memref<2048x768xf32, #tpu.memory_space<vmem>>, vector<128x1xf32>,
    %slice3A_66 = vector.extract_strided_slice %mul3A_49 {offsets = [0, 4], sizes = [128, 1], strides = [1, 1]} : vector<128x8xf32> to vector<128x1xf32>
    %swap3A_67 = arith.constant 1536 : index
    %swap3A_68 = arith.constant 0 : index
    %swap3A_69 = vector.load %arg5[%swap3A_67, %swap3A_68] : memref<2048x768xf32, #tpu.memory_space<vmem>>, vector<128x1xf32>
    tpu.vector_store %arg5[%swap3A_67, %swap3A_68], %slice3A_66 {strides = array<i32>} : memref<2048x768xf32, #tpu.memory_space<vmem>>, vector<128x1xf32>,
    %slice3A_70 = vector.extract_strided_slice %mul3A_49 {offsets = [0, 5], sizes = [128, 1], strides = [1, 1]} : vector<128x8xf32> to vector<128x1xf32>
    %swap3A_71 = arith.constant 1664 : index
    %swap3A_72 = arith.constant 0 : index
    %swap3A_73 = vector.load %arg5[%swap3A_71, %swap3A_72] : memref<2048x768xf32, #tpu.memory_space<vmem>>, vector<128x1xf32>
    tpu.vector_store %arg5[%swap3A_71, %swap3A_72], %slice3A_70 {strides = array<i32>} : memref<2048x768xf32, #tpu.memory_space<vmem>>, vector<128x1xf32>,
    %slice3A_74 = vector.extract_strided_slice %mul3A_49 {offsets = [0, 6], sizes = [128, 1], strides = [1, 1]} : vector<128x8xf32> to vector<128x1xf32>
    %swap3A_75 = arith.constant 1792 : index
    %swap3A_76 = arith.constant 0 : index
    %swap3A_77 = vector.load %arg5[%swap3A_75, %swap3A_76] : memref<2048x768xf32, #tpu.memory_space<vmem>>, vector<128x1xf32>
    tpu.vector_store %arg5[%swap3A_75, %swap3A_76], %slice3A_74 {strides = array<i32>} : memref<2048x768xf32, #tpu.memory_space<vmem>>, vector<128x1xf32>,
    %slice3A_78 = vector.extract_strided_slice %mul3A_49 {offsets = [0, 7], sizes = [128, 1], strides = [1, 1]} : vector<128x8xf32> to vector<128x1xf32>
    %swap3A_79 = arith.constant 1920 : index
    %swap3A_80 = arith.constant 0 : index
    %swap3A_81 = vector.load %arg5[%swap3A_79, %swap3A_80] : memref<2048x768xf32, #tpu.memory_space<vmem>>, vector<128x1xf32>
    tpu.vector_store %arg5[%swap3A_79, %swap3A_80], %slice3A_78 {strides = array<i32>} : memref<2048x768xf32, #tpu.memory_space<vmem>>, vector<128x1xf32>,
    %get3A_82 = arith.constant 0 : index
    %get3A_83 = arith.constant 0 : index
    %get3A_84 = arith.constant 0 : index
    %get3A_85 = vector.load %arg3[%get3A_82, %get3A_83, %get3A_84] : memref<2x8x128xf32, #tpu.memory_space<vmem>>, vector<1x8x128xf32>
    %get3A_86 = vector.shape_cast %get3A_85 : vector<1x8x128xf32> to vector<8x128xf32>
    %transpose3A_87 = tpu.transpose %get3A_86, [1, 0] : vector<8x128xf32> -> vector<128x8xf32>
    %mul3A_88 = vector.broadcast %get3A_1 : f32 to vector<128x8xf32>
    %mul3A_89 = arith.mulf %transpose3A_87, %mul3A_88 : vector<128x8xf32>
    %slice3A_90 = vector.extract_strided_slice %mul3A_89 {offsets = [0, 0], sizes = [128, 1], strides = [1, 1]} : vector<128x8xf32> to vector<128x1xf32>
    %swap3A_91 = arith.constant 0 : index
    %swap3A_92 = arith.constant 1 : index
    %swap3A_93 = vector.load %arg5[%swap3A_91, %swap3A_92] : memref<2048x768xf32, #tpu.memory_space<vmem>>, vector<128x1xf32>
    tpu.vector_store %arg5[%swap3A_91, %swap3A_92], %slice3A_90 {strides = array<i32>} : memref<2048x768xf32, #tpu.memory_space<vmem>>, vector<128x1xf32>,
    %slice3A_94 = vector.extract_strided_slice %mul3A_89 {offsets = [0, 1], sizes = [128, 1], strides = [1, 1]} : vector<128x8xf32> to vector<128x1xf32>
    %swap3A_95 = arith.constant 128 : index
    %swap3A_96 = arith.constant 1 : index
    %swap3A_97 = vector.load %arg5[%swap3A_95, %swap3A_96] : memref<2048x768xf32, #tpu.memory_space<vmem>>, vector<128x1xf32>
    tpu.vector_store %arg5[%swap3A_95, %swap3A_96], %slice3A_94 {strides = array<i32>} : memref<2048x768xf32, #tpu.memory_space<vmem>>, vector<128x1xf32>,
    %slice3A_98 = vector.extract_strided_slice %mul3A_89 {offsets = [0, 2], sizes = [128, 1], strides = [1, 1]} : vector<128x8xf32> to vector<128x1xf32>
    %swap3A_99 = arith.constant 256 : index
    %swap3A_100 = arith.constant 1 : index
    %swap3A_101 = vector.load %arg5[%swap3A_99, %swap3A_100] : memref<2048x768xf32, #tpu.memory_space<vmem>>, vector<128x1xf32>
    tpu.vector_store %arg5[%swap3A_99, %swap3A_100], %slice3A_98 {strides = array<i32>} : memref<2048x768xf32, #tpu.memory_space<vmem>>, vector<128x1xf32>,
    %slice3A_102 = vector.extract_strided_slice %mul3A_89 {offsets = [0, 3], sizes = [128, 1], strides = [1, 1]} : vector<128x8xf32> to vector<128x1xf32>
    %swap3A_103 = arith.constant 384 : index
    %swap3A_104 = arith.constant 1 : index
    %swap3A_105 = vector.load %arg5[%swap3A_103, %swap3A_104] : memref<2048x768xf32, #tpu.memory_space<vmem>>, vector<128x1xf32>
    tpu.vector_store %arg5[%swap3A_103, %swap3A_104], %slice3A_102 {strides = array<i32>} : memref<2048x768xf32, #tpu.memory_space<vmem>>, vector<128x1xf32>,
    %slice3A_106 = vector.extract_strided_slice %mul3A_89 {offsets = [0, 4], sizes = [128, 1], strides = [1, 1]} : vector<128x8xf32> to vector<128x1xf32>
    %swap3A_107 = arith.constant 512 : index
    %swap3A_108 = arith.constant 1 : index
    %swap3A_109 = vector.load %arg5[%swap3A_107, %swap3A_108] : memref<2048x768xf32, #tpu.memory_space<vmem>>, vector<128x1xf32>
    tpu.vector_store %arg5[%swap3A_107, %swap3A_108], %slice3A_106 {strides = array<i32>} : memref<2048x768xf32, #tpu.memory_space<vmem>>, vector<128x1xf32>,
    %slice3A_110 = vector.extract_strided_slice %mul3A_89 {offsets = [0, 5], sizes = [128, 1], strides = [1, 1]} : vector<128x8xf32> to vector<128x1xf32>
    %swap3A_111 = arith.constant 640 : index
    %swap3A_112 = arith.constant 1 : index
    %swap3A_113 = vector.load %arg5[%swap3A_111, %swap3A_112] : memref<2048x768xf32, #tpu.memory_space<vmem>>, vector<128x1xf32>
    tpu.vector_store %arg5[%swap3A_111, %swap3A_112], %slice3A_110 {strides = array<i32>} : memref<2048x768xf32, #tpu.memory_space<vmem>>, vector<128x1xf32>,
    %slice3A_114 = vector.extract_strided_slice %mul3A_89 {offsets = [0, 6], sizes = [128, 1], strides = [1, 1]} : vector<128x8xf32> to vector<128x1xf32>
    %swap3A_115 = arith.constant 768 : index
    %swap3A_116 = arith.constant 1 : index
    %swap3A_117 = vector.load %arg5[%swap3A_115, %swap3A_116] : memref<2048x768xf32, #tpu.memory_space<vmem>>, vector<128x1xf32>
    tpu.vector_store %arg5[%swap3A_115, %swap3A_116], %slice3A_114 {strides = array<i32>} : memref<2048x768xf32, #tpu.memory_space<vmem>>, vector<128x1xf32>,
    %slice3A_118 = vector.extract_strided_slice %mul3A_89 {offsets = [0, 7], sizes = [128, 1], strides = [1, 1]} : vector<128x8xf32> to vector<128x1xf32>
    %swap3A_119 = arith.constant 896 : index
    %swap3A_120 = arith.constant 1 : index
    %swap3A_121 = vector.load %arg5[%swap3A_119, %swap3A_120] : memref<2048x768xf32, #tpu.memory_space<vmem>>, vector<128x1xf32>
    tpu.vector_store %arg5[%swap3A_119, %swap3A_120], %slice3A_118 {strides = array<i32>} : memref<2048x768xf32, #tpu.memory_space<vmem>>, vector<128x1xf32>,
    %get3A_122 = arith.constant 1 : index
    %get3A_123 = arith.constant 0 : index
    %get3A_124 = arith.constant 0 : index
    %get3A_125 = vector.load %arg3[%get3A_122, %get3A_123, %get3A_124] : memref<2x8x128xf32, #tpu.memory_space<vmem>>, vector<1x8x128xf32>
    %get3A_126 = vector.shape_cast %get3A_125 : vector<1x8x128xf32> to vector<8x128xf32>
    %transpose3A_127 = tpu.transpose %get3A_126, [1, 0] : vector<8x128xf32> -> vector<128x8xf32>
    %mul3A_128 = vector.broadcast %get3A_1 : f32 to vector<128x8xf32>
    %mul3A_129 = arith.mulf %transpose3A_127, %mul3A_128 : vector<128x8xf32>
    %slice3A_130 = vector.extract_strided_slice %mul3A_129 {offsets = [0, 0], sizes = [128, 1], strides = [1, 1]} : vector<128x8xf32> to vector<128x1xf32>
    %swap3A_131 = arith.constant 1024 : index
    %swap3A_132 = arith.constant 1 : index
    %swap3A_133 = vector.load %arg5[%swap3A_131, %swap3A_132] : memref<2048x768xf32, #tpu.memory_space<vmem>>, vector<128x1xf32>
    tpu.vector_store %arg5[%swap3A_131, %swap3A_132], %slice3A_130 {strides = array<i32>} : memref<2048x768xf32, #tpu.memory_space<vmem>>, vector<128x1xf32>,
    %slice3A_134 = vector.extract_strided_slice %mul3A_129 {offsets = [0, 1], sizes = [128, 1], strides = [1, 1]} : vector<128x8xf32> to vector<128x1xf32>
    %swap3A_135 = arith.constant 1152 : index
    %swap3A_136 = arith.constant 1 : index
    %swap3A_137 = vector.load %arg5[%swap3A_135, %swap3A_136] : memref<2048x768xf32, #tpu.memory_space<vmem>>, vector<128x1xf32>
    tpu.vector_store %arg5[%swap3A_135, %swap3A_136], %slice3A_134 {strides = array<i32>} : memref<2048x768xf32, #tpu.memory_space<vmem>>, vector<128x1xf32>,
    %slice3A_138 = vector.extract_strided_slice %mul3A_129 {offsets = [0, 2], sizes = [128, 1], strides = [1, 1]} : vector<128x8xf32> to vector<128x1xf32>
    %swap3A_139 = arith.constant 1280 : index
    %swap3A_140 = arith.constant 1 : index
    %swap3A_141 = vector.load %arg5[%swap3A_139, %swap3A_140] : memref<2048x768xf32, #tpu.memory_space<vmem>>, vector<128x1xf32>
    tpu.vector_store %arg5[%swap3A_139, %swap3A_140], %slice3A_138 {strides = array<i32>} : memref<2048x768xf32, #tpu.memory_space<vmem>>, vector<128x1xf32>,
    %slice3A_142 = vector.extract_strided_slice %mul3A_129 {offsets = [0, 3], sizes = [128, 1], strides = [1, 1]} : vector<128x8xf32> to vector<128x1xf32>
    %swap3A_143 = arith.constant 1408 : index
    %swap3A_144 = arith.constant 1 : index
    %swap3A_145 = vector.load %arg5[%swap3A_143, %swap3A_144] : memref<2048x768xf32, #tpu.memory_space<vmem>>, vector<128x1xf32>
    tpu.vector_store %arg5[%swap3A_143, %swap3A_144], %slice3A_142 {strides = array<i32>} : memref<2048x768xf32, #tpu.memory_space<vmem>>, vector<128x1xf32>,
    %slice3A_146 = vector.extract_strided_slice %mul3A_129 {offsets = [0, 4], sizes = [128, 1], strides = [1, 1]} : vector<128x8xf32> to vector<128x1xf32>
    %swap3A_147 = arith.constant 1536 : index
    %swap3A_148 = arith.constant 1 : index
    %swap3A_149 = vector.load %arg5[%swap3A_147, %swap3A_148] : memref<2048x768xf32, #tpu.memory_space<vmem>>, vector<128x1xf32>
    tpu.vector_store %arg5[%swap3A_147, %swap3A_148], %slice3A_146 {strides = array<i32>} : memref<2048x768xf32, #tpu.memory_space<vmem>>, vector<128x1xf32>,
    %slice3A_150 = vector.extract_strided_slice %mul3A_129 {offsets = [0, 5], sizes = [128, 1], strides = [1, 1]} : vector<128x8xf32> to vector<128x1xf32>
    %swap3A_151 = arith.constant 1664 : index
    %swap3A_152 = arith.constant 1 : index
    %swap3A_153 = vector.load %arg5[%swap3A_151, %swap3A_152] : memref<2048x768xf32, #tpu.memory_space<vmem>>, vector<128x1xf32>
    tpu.vector_store %arg5[%swap3A_151, %swap3A_152], %slice3A_150 {strides = array<i32>} : memref<2048x768xf32, #tpu.memory_space<vmem>>, vector<128x1xf32>,
    %slice3A_154 = vector.extract_strided_slice %mul3A_129 {offsets = [0, 6], sizes = [128, 1], strides = [1, 1]} : vector<128x8xf32> to vector<128x1xf32>
    %swap3A_155 = arith.constant 1792 : index
    %swap3A_156 = arith.constant 1 : index
    %swap3A_157 = vector.load %arg5[%swap3A_155, %swap3A_156] : memref<2048x768xf32, #tpu.memory_space<vmem>>, vector<128x1xf32>
    tpu.vector_store %arg5[%swap3A_155, %swap3A_156], %slice3A_154 {strides = array<i32>} : memref<2048x768xf32, #tpu.memory_space<vmem>>, vector<128x1xf32>,
    %slice3A_158 = vector.extract_strided_slice %mul3A_129 {offsets = [0, 7], sizes = [128, 1], strides = [1, 1]} : vector<128x8xf32> to vector<128x1xf32>
    %swap3A_159 = arith.constant 1920 : index
    %swap3A_160 = arith.constant 1 : index
    %swap3A_161 = vector.load %arg5[%swap3A_159, %swap3A_160] : memref<2048x768xf32, #tpu.memory_space<vmem>>, vector<128x1xf32>
    tpu.vector_store %arg5[%swap3A_159, %swap3A_160], %slice3A_158 {strides = array<i32>} : memref<2048x768xf32, #tpu.memory_space<vmem>>, vector<128x1xf32>,
    %get3A_162 = arith.constant 0 : index
    %get3A_163 = arith.constant 0 : index
    %get3A_164 = arith.constant 0 : index
    %get3A_165 = vector.load %arg4[%get3A_162, %get3A_163, %get3A_164] : memref<2x8x128xf32, #tpu.memory_space<vmem>>, vector<1x8x128xf32>
    %get3A_166 = vector.shape_cast %get3A_165 : vector<1x8x128xf32> to vector<8x128xf32>
    %transpose3A_167 = tpu.transpose %get3A_166, [1, 0] : vector<8x128xf32> -> vector<128x8xf32>
    %mul3A_168 = vector.broadcast %get3A_1 : f32 to vector<128x8xf32>
    %mul3A_169 = arith.mulf %transpose3A_167, %mul3A_168 : vector<128x8xf32>
    %slice3A_170 = vector.extract_strided_slice %mul3A_169 {offsets = [0, 0], sizes = [128, 1], strides = [1, 1]} : vector<128x8xf32> to vector<128x1xf32>
    %swap3A_171 = arith.constant 0 : index
    %swap3A_172 = arith.constant 2 : index
    %swap3A_173 = vector.load %arg5[%swap3A_171, %swap3A_172] : memref<2048x768xf32, #tpu.memory_space<vmem>>, vector<128x1xf32>
    tpu.vector_store %arg5[%swap3A_171, %swap3A_172], %slice3A_170 {strides = array<i32>} : memref<2048x768xf32, #tpu.memory_space<vmem>>, vector<128x1xf32>,
    %slice3A_174 = vector.extract_strided_slice %mul3A_169 {offsets = [0, 1], sizes = [128, 1], strides = [1, 1]} : vector<128x8xf32> to vector<128x1xf32>
    %swap3A_175 = arith.constant 128 : index
    %swap3A_176 = arith.constant 2 : index
    %swap3A_177 = vector.load %arg5[%swap3A_175, %swap3A_176] : memref<2048x768xf32, #tpu.memory_space<vmem>>, vector<128x1xf32>
    tpu.vector_store %arg5[%swap3A_175, %swap3A_176], %slice3A_174 {strides = array<i32>} : memref<2048x768xf32, #tpu.memory_space<vmem>>, vector<128x1xf32>,
    %slice3A_178 = vector.extract_strided_slice %mul3A_169 {offsets = [0, 2], sizes = [128, 1], strides = [1, 1]} : vector<128x8xf32> to vector<128x1xf32>
    %swap3A_179 = arith.constant 256 : index
    %swap3A_180 = arith.constant 2 : index
    %swap3A_181 = vector.load %arg5[%swap3A_179, %swap3A_180] : memref<2048x768xf32, #tpu.memory_space<vmem>>, vector<128x1xf32>
    tpu.vector_store %arg5[%swap3A_179, %swap3A_180], %slice3A_178 {strides = array<i32>} : memref<2048x768xf32, #tpu.memory_space<vmem>>, vector<128x1xf32>,
    %slice3A_182 = vector.extract_strided_slice %mul3A_169 {offsets = [0, 3], sizes = [128, 1], strides = [1, 1]} : vector<128x8xf32> to vector<128x1xf32>
    %swap3A_183 = arith.constant 384 : index
    %swap3A_184 = arith.constant 2 : index
    %swap3A_185 = vector.load %arg5[%swap3A_183, %swap3A_184] : memref<2048x768xf32, #tpu.memory_space<vmem>>, vector<128x1xf32>
    tpu.vector_store %arg5[%swap3A_183, %swap3A_184], %slice3A_182 {strides = array<i32>} : memref<2048x768xf32, #tpu.memory_space<vmem>>, vector<128x1xf32>,
    %slice3A_186 = vector.extract_strided_slice %mul3A_169 {offsets = [0, 4], sizes = [128, 1], strides = [1, 1]} : vector<128x8xf32> to vector<128x1xf32>
    %swap3A_187 = arith.constant 512 : index
    %swap3A_188 = arith.constant 2 : index
    %swap3A_189 = vector.load %arg5[%swap3A_187, %swap3A_188] : memref<2048x768xf32, #tpu.memory_space<vmem>>, vector<128x1xf32>
    tpu.vector_store %arg5[%swap3A_187, %swap3A_188], %slice3A_186 {strides = array<i32>} : memref<2048x768xf32, #tpu.memory_space<vmem>>, vector<128x1xf32>,
    %slice3A_190 = vector.extract_strided_slice %mul3A_169 {offsets = [0, 5], sizes = [128, 1], strides = [1, 1]} : vector<128x8xf32> to vector<128x1xf32>
    %swap3A_191 = arith.constant 640 : index
    %swap3A_192 = arith.constant 2 : index
    %swap3A_193 = vector.load %arg5[%swap3A_191, %swap3A_192] : memref<2048x768xf32, #tpu.memory_space<vmem>>, vector<128x1xf32>
    tpu.vector_store %arg5[%swap3A_191, %swap3A_192], %slice3A_190 {strides = array<i32>} : memref<2048x768xf32, #tpu.memory_space<vmem>>, vector<128x1xf32>,
    %slice3A_194 = vector.extract_strided_slice %mul3A_169 {offsets = [0, 6], sizes = [128, 1], strides = [1, 1]} : vector<128x8xf32> to vector<128x1xf32>
    %swap3A_195 = arith.constant 768 : index
    %swap3A_196 = arith.constant 2 : index
    %swap3A_197 = vector.load %arg5[%swap3A_195, %swap3A_196] : memref<2048x768xf32, #tpu.memory_space<vmem>>, vector<128x1xf32>
    tpu.vector_store %arg5[%swap3A_195, %swap3A_196], %slice3A_194 {strides = array<i32>} : memref<2048x768xf32, #tpu.memory_space<vmem>>, vector<128x1xf32>,
    %slice3A_198 = vector.extract_strided_slice %mul3A_169 {offsets = [0, 7], sizes = [128, 1], strides = [1, 1]} : vector<128x8xf32> to vector<128x1xf32>
    %swap3A_199 = arith.constant 896 : index
    %swap3A_200 = arith.constant 2 : index
    %swap3A_201 = vector.load %arg5[%swap3A_199, %swap3A_200] : memref<2048x768xf32, #tpu.memory_space<vmem>>, vector<128x1xf32>
    tpu.vector_store %arg5[%swap3A_199, %swap3A_200], %slice3A_198 {strides = array<i32>} : memref<2048x768xf32, #tpu.memory_space<vmem>>, vector<128x1xf32>,
    %get3A_202 = arith.constant 1 : index
    %get3A_203 = arith.constant 0 : index
    %get3A_204 = arith.constant 0 : index
    %get3A_205 = vector.load %arg4[%get3A_202, %get3A_203, %get3A_204] : memref<2x8x128xf32, #tpu.memory_space<vmem>>, vector<1x8x128xf32>
    %get3A_206 = vector.shape_cast %get3A_205 : vector<1x8x128xf32> to vector<8x128xf32>
    %transpose3A_207 = tpu.transpose %get3A_206, [1, 0] : vector<8x128xf32> -> vector<128x8xf32>
    %mul3A_208 = vector.broadcast %get3A_1 : f32 to vector<128x8xf32>
    %mul3A_209 = arith.mulf %transpose3A_207, %mul3A_208 : vector<128x8xf32>
    %slice3A_210 = vector.extract_strided_slice %mul3A_209 {offsets = [0, 0], sizes = [128, 1], strides = [1, 1]} : vector<128x8xf32> to vector<128x1xf32>
    %swap3A_211 = arith.constant 1024 : index
    %swap3A_212 = arith.constant 2 : index
    %swap3A_213 = vector.load %arg5[%swap3A_211, %swap3A_212] : memref<2048x768xf32, #tpu.memory_space<vmem>>, vector<128x1xf32>
    tpu.vector_store %arg5[%swap3A_211, %swap3A_212], %slice3A_210 {strides = array<i32>} : memref<2048x768xf32, #tpu.memory_space<vmem>>, vector<128x1xf32>,
    %slice3A_214 = vector.extract_strided_slice %mul3A_209 {offsets = [0, 1], sizes = [128, 1], strides = [1, 1]} : vector<128x8xf32> to vector<128x1xf32>
    %swap3A_215 = arith.constant 1152 : index
    %swap3A_216 = arith.constant 2 : index
    %swap3A_217 = vector.load %arg5[%swap3A_215, %swap3A_216] : memref<2048x768xf32, #tpu.memory_space<vmem>>, vector<128x1xf32>
    tpu.vector_store %arg5[%swap3A_215, %swap3A_216], %slice3A_214 {strides = array<i32>} : memref<2048x768xf32, #tpu.memory_space<vmem>>, vector<128x1xf32>,
    %slice3A_218 = vector.extract_strided_slice %mul3A_209 {offsets = [0, 2], sizes = [128, 1], strides = [1, 1]} : vector<128x8xf32> to vector<128x1xf32>
    %swap3A_219 = arith.constant 1280 : index
    %swap3A_220 = arith.constant 2 : index
    %swap3A_221 = vector.load %arg5[%swap3A_219, %swap3A_220] : memref<2048x768xf32, #tpu.memory_space<vmem>>, vector<128x1xf32>
    tpu.vector_store %arg5[%swap3A_219, %swap3A_220], %slice3A_218 {strides = array<i32>} : memref<2048x768xf32, #tpu.memory_space<vmem>>, vector<128x1xf32>,
    %slice3A_222 = vector.extract_strided_slice %mul3A_209 {offsets = [0, 3], sizes = [128, 1], strides = [1, 1]} : vector<128x8xf32> to vector<128x1xf32>
    %swap3A_223 = arith.constant 1408 : index
    %swap3A_224 = arith.constant 2 : index
    %swap3A_225 = vector.load %arg5[%swap3A_223, %swap3A_224] : memref<2048x768xf32, #tpu.memory_space<vmem>>, vector<128x1xf32>
    tpu.vector_store %arg5[%swap3A_223, %swap3A_224], %slice3A_222 {strides = array<i32>} : memref<2048x768xf32, #tpu.memory_space<vmem>>, vector<128x1xf32>,
    %slice3A_226 = vector.extract_strided_slice %mul3A_209 {offsets = [0, 4], sizes = [128, 1], strides = [1, 1]} : vector<128x8xf32> to vector<128x1xf32>
    %swap3A_227 = arith.constant 1536 : index
    %swap3A_228 = arith.constant 2 : index
    %swap3A_229 = vector.load %arg5[%swap3A_227, %swap3A_228] : memref<2048x768xf32, #tpu.memory_space<vmem>>, vector<128x1xf32>
    tpu.vector_store %arg5[%swap3A_227, %swap3A_228], %slice3A_226 {strides = array<i32>} : memref<2048x768xf32, #tpu.memory_space<vmem>>, vector<128x1xf32>,
    %slice3A_230 = vector.extract_strided_slice %mul3A_209 {offsets = [0, 5], sizes = [128, 1], strides = [1, 1]} : vector<128x8xf32> to vector<128x1xf32>
    %swap3A_231 = arith.constant 1664 : index
    %swap3A_232 = arith.constant 2 : index
    %swap3A_233 = vector.load %arg5[%swap3A_231, %swap3A_232] : memref<2048x768xf32, #tpu.memory_space<vmem>>, vector<128x1xf32>
    tpu.vector_store %arg5[%swap3A_231, %swap3A_232], %slice3A_230 {strides = array<i32>} : memref<2048x768xf32, #tpu.memory_space<vmem>>, vector<128x1xf32>,
    %slice3A_234 = vector.extract_strided_slice %mul3A_209 {offsets = [0, 6], sizes = [128, 1], strides = [1, 1]} : vector<128x8xf32> to vector<128x1xf32>
    %swap3A_235 = arith.constant 1792 : index
    %swap3A_236 = arith.constant 2 : index
    %swap3A_237 = vector.load %arg5[%swap3A_235, %swap3A_236] : memref<2048x768xf32, #tpu.memory_space<vmem>>, vector<128x1xf32>
    tpu.vector_store %arg5[%swap3A_235, %swap3A_236], %slice3A_234 {strides = array<i32>} : memref<2048x768xf32, #tpu.memory_space<vmem>>, vector<128x1xf32>,
    %slice3A_238 = vector.extract_strided_slice %mul3A_209 {offsets = [0, 7], sizes = [128, 1], strides = [1, 1]} : vector<128x8xf32> to vector<128x1xf32>
    %swap3A_239 = arith.constant 1920 : index
    %swap3A_240 = arith.constant 2 : index
    %swap3A_241 = vector.load %arg5[%swap3A_239, %swap3A_240] : memref<2048x768xf32, #tpu.memory_space<vmem>>, vector<128x1xf32>
    tpu.vector_store %arg5[%swap3A_239, %swap3A_240], %slice3A_238 {strides = array<i32>} : memref<2048x768xf32, #tpu.memory_space<vmem>>, vector<128x1xf32>,
    return
  }
  func.func @transform_0(%arg0: i32) -> (i32, i32) {
    %c0_i32 = arith.constant 0 : i32
    %c0_i32_0 = arith.constant 0 : i32
    %c0_i32_1 = arith.constant 0 : i32
    return %c0_i32, %c0_i32_0 : i32, i32
  }
  func.func @transform_1(%arg0: i32) -> (i32, i32, i32) {
    %c0_i32 = arith.constant 0 : i32
    %c0_i32_0 = arith.constant 0 : i32
    %c0_i32_1 = arith.constant 0 : i32
    return %arg0, %c0_i32, %c0_i32_0 : i32, i32, i32
  }
  func.func @transform_2(%arg0: i32) -> (i32, i32, i32) {
    %add3A = arith.constant 16 : i32
    %add3A_0 = arith.addi %arg0, %add3A : i32
    %c0_i32 = arith.constant 0 : i32
    %c0_i32_1 = arith.constant 0 : i32
    %c0_i32_2 = arith.constant 0 : i32
    return %add3A_0, %c0_i32, %c0_i32_1 : i32, i32, i32
  }
  func.func @transform_3(%arg0: i32) -> (i32, i32, i32) {
    %add3A = arith.constant 32 : i32
    %add3A_0 = arith.addi %arg0, %add3A : i32
    %c0_i32 = arith.constant 0 : i32
    %c0_i32_1 = arith.constant 0 : i32
    %c0_i32_2 = arith.constant 0 : i32
    return %add3A_0, %c0_i32, %c0_i32_1 : i32, i32, i32
  }
  func.func @transform_4(%arg0: i32) -> (i32, i32) {
    %c0_i32 = arith.constant 0 : i32
    %c0_i32_0 = arith.constant 0 : i32
    return %arg0, %c0_i32 : i32, i32
  }
}

</mosaic_0001>

<sc_bundles>
// kernel: kernel.4.cloned.1.call-start
scs
__scs_entry_jumppad:
0x0: {  	(pc) =	sbr.rel $0x88, $3  }
0x1: {  	(tag) =	ssettag $0x0;
	lr =	simm.s32 $0x1  }
0x2: {  	[smem:$0x3F9E] =	sst lr;
	_ =	strace $0xD0000000  }
0x3: {  	_ = 	snop  }
0x4: {  	_ = 	snop  }
0x5: {  	_ = 	snop  }
0x6: {  	_ = 	snop  }
0x7: {  	_ = 	snop  }
__scs_overlays_trampoline_lowered:
0x8: {  	[smem:$0x3FAD] =	sst s0  }
0x9: {  	[smem:$0x3FAE] =	sst s1  }
0xa: {  	[smem:$0x3FAF] =	sst s2  }
0xb: {  	[smem:$0x3FB0] =	sst s3  }
0xc: {  	[smem:$0x3FB1] =	sst s4  }
0xd: {  	[smem:$0x3FB2] =	sst s5  }
0xe: {  	[smem:$0x3FB3] =	sst s6  }
0xf: {  	[smem:$0x3FB4] =	sst s7  }
0x10: {  	[smem:$0x3FB5] =	sst s8  }
0x11: {  	[smem:$0x3FB6] =	sst s9;
	s0 =	simm.s32 @!p0 $0x0  }
0x12: {  	s1 =	sld [smem:$0x3F9C];
	s0 =	simm.s32 @p0 $0x1  }
0x13: {  	[smem:$0x3FB7] =	sst s0;
	s0 =	simm.s32 @!p1 $0x0  }
0x14: {  	s2 =	sld [smem:$0x3F9B];
	s0 =	simm.s32 @p1 $0x1  }
0x15: {  	[smem:$0x3FB8] =	sst s0;
	s0 =	simm.s32 @!p2 $0x0  }
0x16: {  	s3 =	sld [smem:$0x3FDB];
	s0 =	simm.s32 @p2 $0x1  }
0x17: {  	s4 =	simm.s32 $0x1BF5;
	[smem:$0x3FBA] =	sst s0  }
0x18: {  	s0 =	sld [smem:$0x3F9D];
	_ =	swait.ge [sflag:s4], $0x0  }
0x19: {  	s7 =	sld [smem:$0x3F9E]  }
0x1a: {  	s8 =	sadd.s32 $0xFFFFE003, lr  }
0x1b: {  	s9 =	sadd.s32 $0xFFFFFEF7, lr;
	s5 =	simm.s32 $0xFFFFFFFF;
	p2 =	slt.u32 s8, $0xFFFFF086  }
0x1c: {  	p1 =	slt.u32 s9, $0xF7A;
	s5 =	simm.s32 @!p2 $0x0  }
0x1d: {  	s5 =	simm.s32 @p1 $0x1;
	p0 =	seq.s32 s7, s2  }
0x1e: {  	s7 =	smul.u32 @!p0 $0xF7A, s2;
	p2 =	seq.s32 @!p0 s5, $0x0  }
0x1f: {  	s9 =	smul.u32 $0xF7A, s1;
	s8 =	simm.s32 @!p0 $0x1BF5;
	p2 =	por !p2, p0  }
0x20: {  	[sflag:s8] =	ssyncset.s32 @!p0 $0xFFFFF086;
	s6 =	sadd.s32 @!p0 s3, s7;
	s7 =	simm.s32 @!p0 $0x108  }
0x21: {  	s3 =	sadd.s32 s3, s9;
	s6 =	sadd.s32 @!p0 $0x88, s6;
	s7 =	simm.s32 @p2 $0x1082  }
0x22: {  	[simem:s7], [sflag:s8] =	dma.local @!p0 [hbm:s6], $0xF7A  }
0x23: {  	s9 =	sor.u32 $0xD0000000, s2;
	s6 =	simm.s32 $0x108;
	_ =	swait.ge @!p0 [sflag:s8], $0x0  }
0x24: {  	s3 =	sadd.s32 $0x88, s3;
	s6 =	simm.s32 @!p1 $0x1082;
	[sflag:s4] =	ssyncset.s32 $0xFFFFF086  }
0x25: {  	[simem:s6], [sflag:s4] =	dma.local [hbm:s3], $0xF7A  }
0x26: {  	[smem:$0x3F9E] =	sst s1;
	(tag) =	ssettag s2;
	_ =	strace s9  }
0x27: {  	s1 =	sld [smem:$0x3FAE]  }
0x28: {  	s2 =	sld [smem:$0x3FAF]  }
0x29: {  	s4 =	sld [smem:$0x3FB1]  }
0x2a: {  	p0 =	seq.s32 s5, $0x0;
	s5 =	sld [smem:$0x3FB2]  }
0x2b: {  	s6 =	sld [smem:$0x3FB3]  }
0x2c: {  	s7 =	sld [smem:$0x3FB4]  }
0x2d: {  	s3 =	simm.s32 $0x108;
	s8 =	sld [smem:$0x3FB5]  }
0x2e: {  	s3 =	simm.s32 @!p0 $0x1082;
	s9 =	sld [smem:$0x3FB6]  }
0x2f: {  	lr =	sadd.s32 s0, s3;
	s0 =	sld [smem:$0x3FAD]  }
0x30: {  	s3 =	sld [smem:$0x3FB0]  }
0x31: {  	[smem:$0x3FB9] =	sst s10  }
0x32: {  	s10 =	sld [smem:$0x3FB7];
	_ =	sdelay $0x3  }
0x33: {  	p0 =	seq.s32 s10, $0x1;
	s10 =	sld [smem:$0x3FB9];
	_ =	sdelay $0x3  }
0x34: {  	[smem:$0x3FB9] =	sst s10  }
0x35: {  	s10 =	sld [smem:$0x3FB8];
	_ =	sdelay $0x3  }
0x36: {  	p1 =	seq.s32 s10, $0x1;
	s10 =	sld [smem:$0x3FB9];
	_ =	sdelay $0x3  }
0x37: {  	[smem:$0x3FB9] =	sst s10  }
0x38: {  	s10 =	sld [smem:$0x3FBA]  }
0x39: {  	_ = 	snop;
	(pc) =	sbr.ind lr, $3  }
0x3a: {  	_ = 	snop  }
0x3b: {  	_ = 	snop  }
0x3c: {  	p2 =	seq.s32 s10, $0x1;
	s10 =	sld [smem:$0x3FB9]  }
0x3d: {  	_ =	shalt  }
0x3e: {  	_ =	shalt  }
0x3f: {  	_ =	shalt  }
0x40: {  	_ =	shalt  }
0x41: {  	_ =	shalt  }
0x42: {  	_ =	shalt  }
0x43: {  	_ =	shalt  }
0x44: {  	_ =	shalt  }
0x45: {  	_ =	shalt  }
0x46: {  	_ =	shalt  }
0x47: {  	_ =	shalt  }
0x48: {  	_ =	shalt  }
0x49: {  	_ =	shalt  }
0x4a: {  	_ =	shalt  }
0x4b: {  	_ =	shalt  }
0x4c: {  	_ =	shalt  }
0x4d: {  	_ =	shalt  }
0x4e: {  	_ =	shalt  }
0x4f: {  	_ =	shalt  }
0x50: {  	_ =	shalt  }
0x51: {  	_ =	shalt  }
0x52: {  	_ =	shalt  }
0x53: {  	_ =	shalt  }
0x54: {  	_ =	shalt  }
0x55: {  	_ =	shalt  }
0x56: {  	_ =	shalt  }
0x57: {  	_ =	shalt  }
0x58: {  	_ =	shalt  }
0x59: {  	_ =	shalt  }
0x5a: {  	_ =	shalt  }
0x5b: {  	_ =	shalt  }
0x5c: {  	_ =	shalt  }
0x5d: {  	_ =	shalt  }
0x5e: {  	_ =	shalt  }
0x5f: {  	_ =	shalt  }
0x60: {  	_ =	shalt  }
0x61: {  	_ =	shalt  }
0x62: {  	_ =	shalt  }
0x63: {  	_ =	shalt  }
0x64: {  	_ =	shalt  }
0x65: {  	_ =	shalt  }
0x66: {  	_ =	shalt  }
0x67: {  	_ =	shalt  }
0x68: {  	_ =	shalt  }
0x69: {  	_ =	shalt  }
0x6a: {  	_ =	shalt  }
0x6b: {  	_ =	shalt  }
0x6c: {  	_ =	shalt  }
0x6d: {  	_ =	shalt  }
0x6e: {  	_ =	shalt  }
0x6f: {  	_ =	shalt  }
0x70: {  	_ =	shalt  }
0x71: {  	_ =	shalt  }
0x72: {  	_ =	shalt  }
0x73: {  	_ =	shalt  }
0x74: {  	_ =	shalt  }
0x75: {  	_ =	shalt  }
0x76: {  	_ =	shalt  }
0x77: {  	_ =	shalt  }
0x78: {  	_ =	shalt  }
0x79: {  	_ =	shalt  }
0x7a: {  	_ =	shalt  }
0x7b: {  	_ =	shalt  }
0x7c: {  	_ =	shalt  }
0x7d: {  	_ =	shalt  }
0x7e: {  	_ =	shalt  }
0x7f: {  	_ =	shalt  }
0x80: {  	_ =	shalt  }
0x81: {  	_ =	shalt  }
0x82: {  	_ =	shalt  }
0x83: {  	_ =	shalt  }
0x84: {  	_ =	shalt  }
0x85: {  	_ =	shalt  }
0x86: {  	_ =	shalt  }
0x87: {  	_ =	shalt  }
.Lfunc_end0:
.L_simem_size_0:
called_computation_lowered:
.L_overlay_start_0:
0x88: {  	s2 =	sld [smem:$0x3FD9]  }
0x89: {  	s3 =	sld [smem:$0x3FFE];
	_ =	sdelay $0x1  }
0x8a: {  	s1 =	srdreg.scid  }
0x8b: {  	s0 =	sand.u32 $0x1, s1  }
0x8c: {  	s17 =	sshll.u32 s0, $0xA;
	s2 =	sadd.s32 s3, s2  }
0x8d: {  	s2 =	sadd.s32 s2, s17  }
0x8e: {  	[smem:$0x3FC5] =	sst s2  }
0x8f: {  	_ = 	snop  }
0x90: {  	s2 =	sld [smem:$0x3FC9]  }
0x91: {  	s18 =	sld [smem:$0x3FD0];
	(tm) =	ssettm $0x1  }
0x92: {  	s4 =	sld [smem:$0x3FFB];
	_ =	sdelay $0x3  }
0x93: {  	_ =	strace s4  }
0x94: {  	s4 =	sld [smem:$0x3FFC];
	_ =	sdelay $0x3  }
0x95: {  	_ =	strace s4  }
0x96: {  	s4 =	sld [smem:$0x3FFD];
	_ =	sdelay $0x3  }
0x97: {  	_ =	strace s4  }
0x98: {  	_ =	strace $0x8FFFFFFF  }
0x99: {  	s19 =	sld [smem:$0x3FDB];
	_ =	sdelay $0x1  }
0x9a: {  	s5 =	simm.s32 $_scs_section_size  }
0x9b: {  	s6 =	simm.s32 $_size__tile_overlayer_lowered;
	s7 =	simm.s32 $_tile_overlayer_lowered  }
0x9c: {  	s22 =	simm.s32 $0x1BFF;
	s21 =	sshll.u32 s7, $0x1;
	s4 =	sadd.s32 s5, s19  }
0x9d: {  	s8 =	simm.s32 $0x0;
	s20 =	sshll.u32 s6, $0x1;
	s6 =	sadd.s32 s21, s4  }
0x9e: {  	[timem:s8], [sflag:s22] =	dma.local [hbm:s6], s20  }
0x9f: {  	_ =	swait.ge [sflag:s22], s20  }
0xa0: {  	s5 =	ssub.s32 $0x0, s20;
	[sflag:s22] =	ssyncset.done $0x0  }
0xa1: {  	[sflag:s22] =	ssyncadd.s32 s5;
	_ =	sdelay $0x1  }
0xa2: {  	s23 =	simm.s32 $0x1B8B  }
0xa3: {  	_ =	swait.ge [sflag:s23], $0x1  }
0xa4: {  	[sflag:s23] =	ssyncset.done $0x0  }
0xa5: {  	s25 =	simm.s32 $0x1B8E;
	s24 =	sld [smem:$0x3FFE];
	[sflag:s23] =	ssyncadd.s32 $0xFFFFFFFF  }
0xa6: {  	s26 =	simm.s32 $execute0_lowered;
	[smem:$0x3FD2] =	sst s25  }
0xa7: {  	s6 =	sshll.u32 s26, $0x1;
	_ =	strace $0x80000046;
	[dreg:$0x1] =	wrdreg $0xFFFFFFFF  }
0xa8: {  	s28 =	simm.s32 $_size_execute0_lowered;
	s4 =	sadd.s32 s4, s6;
	[dreg:$0x0] =	wrdreg $0x0  }
0xa9: {  	s6 =	sshll.u32 s28, $0x1;
	[dreg:$0x2] =	wrdreg s4  }
0xaa: {  	[dreg:$0x3] =	wrdreg s6  }
0xab: {  	[dreg:$0x4] =	wrdreg $0xC0  }
0xac: {  	_ =	task [dreg:s8], $0x5FFFF  }
0xad: {  	[dreg:$0x1] =	wrdreg $0xFFFFFFFF  }
0xae: {  	[dreg:$0x0] =	wrdreg $0x60  }
0xaf: {  	[dreg:$0x2] =	wrdreg s2  }
0xb0: {  	[dreg:$0x3] =	wrdreg s18  }
0xb1: {  	[dreg:$0x4] =	wrdreg s24  }
0xb2: {  	[dreg:$0x5] =	wrdreg $0x9  }
0xb3: {  	_ =	task.clear_ibuf [dreg:s8], $0x6FFFF;
	_ =	strace $0x90000046  }
0xb4: {  	s29 =	simm.s32 $0x9;
	_ =	strace $0x80000048  }
0xb5: {  	_ =	swait.ge [sflag:s29], $0x1  }
0xb6: {  	[sflag:s29] =	ssyncadd.s32 $0xFFFFFFFF  }
0xb7: {  	_ =	strace $0x90000048  }
0xb8: {  	_ =	sfence  }
0xb9: {  	s30 =	sld [smem:$0x0];
	_ =	sdelay $0x2  }
0xba: {  	s31 =	sshll.u32 s1, $0xD;
	s1 =	sshrl.u32 s1, $0x2  }
0xbb: {  	s3 =	sand.u32 $0x4000, s31;
	s1 =	sadd.s32 s1, s30  }
0xbc: {  	s0 =	sor.u32 s3, s0;
	s1 =	sshll.u32 s1, $0x11  }
0xbd: {  	s0 =	sor.u32 s1, s0  }
0xbe: {  	s0 =	sadd.s32 $0x8F2B, s0  }
0xbf: {  	[sflag:s0] =	ssyncadd.remote.s32 $0x1  }
0xc0: {  	_ =	sfence.sel $0xFFFF  }
0xc1: {  	[dreg:$0x0] =	wrdreg $0xFFFFFFFF;
	(pc) =	sbr.abs _section_cstart, $3  }
0xc2: {  	[dreg:$0x1] =	wrdreg $0xFFFFFFFF  }
0xc3: {  	_ =	task.clear_ibuf [dreg:s8], $0x2FFFF;
	_ =	strace $0x9FFFFFFF  }
0xc4: {  	(tm) =	ssettm $0x7FFFFFFF  }
0xc5: {  	_ =	shalt  }
tec
execute0_lowered:
.L_overlay_start_1:
0x0: {  	(tag) =	ssettag $0x1  }
0x1: {  	s0 =	rddreg [dreg:$0x0]  }
0x2: {  	s2 =	rddreg [dreg:$0x1]  }
0x3: {  	s1 =	rddreg [dreg:$0x2]  }
0x4: {  	s4 =	srdreg.scid;
	s7 =	stileid.u32  }
0x5: {  	s3 =	simm.s32 $0x0;
	s9 =	simm.s32 $0x80;
	s11 =	simm.s32 $0x2  }
0x6: {  	s13 =	simm.s32 $0x1000;
	s15 =	simm.s32 $0x1400;
	s17 =	simm.s32 $0x1800  }
0x7: {  	s28 =	simm.s32 $0xE80;
	s29 =	simm.s32 $0x1A80;
	s30 =	simm.s32 $0x700  }
0x8: {  	s31 =	simm.s32 $0x1300;
	s10 =	simm.s32 $0xF00;
	s12 =	simm.s32 $0x1B00  }
0x9: {  	s14 =	simm.s32 $0x780;
	s16 =	simm.s32 $0x1380;
	s18 =	simm.s32 $0xB80  }
0xa: {  	s19 =	simm.s32 $0x1780;
	s20 =	simm.s32 $0xF80;
	s21 =	simm.s32 $0x1B80  }
0xb: {  	s22 =	simm.s32 $0x1;
	s23 =	simm.s32 $0x0;
	s4 =	sand.u32 $0x1, s4  }
0xc: {  	s5 =	sshll.u32 s7, $0x1;
	[smem:$0x7FF] =	sst s3;
	s7 =	sshll.u32 s7, $0x2  }
0xd: {  	s5 =	sor.u32 s4, s5;
	_ =	strace $0x80000047;
	s4 =	ssub.s32 $0x2, s4  }
0xe: {  	s7 =	sand.u32 $0x30, s7;
	s6 =	sshll.u32 s5, $0x7;
	s5 =	sshll.u32 s5, $0x9  }
0xf: {  	s8 =	sshrl.u32 s4, $0x1;
	s0 =	sadd.s32 s0, s7;
	s5 =	sand.u32 $0xE00, s5  }
0x10: {  	s1 =	sadd.s32 s6, s1;
	s8 =	ssub.s32 s4, s8;
	s4 =	sadd.s32 s5, s0  }
0x11: {  	s5 =	sadd.s32 $0x600, s1;
	s6 =	sadd.s32 $0x1600, s1;
	s7 =	sadd.s32 $0x2600, s1  }
0x12: {  	s8 =	smax.u32 s8, $0x1;
	s0 =	simm.s32 $0xB00;
	s1 =	simm.s32 $0x1700  }
.LBB2_1:
0x13: {  	s24 =	simm.s32 $0x200  }
0x14: {  	[tilespmem:s3], [sflag:$0x2] =	stream.strided.gather [hbm4b:s4+s9], $0x400, s24, s9, $0x38;
	[tilespmem:$0x1C00] =	vst v63  }
0x15: {  	_ =	swait.ge [sflag:s11], $0x400  }
0x16: {  	[sflag:s11] =	ssyncset.done $0x0  }
0x17: {  	s24 =	simm.s32 $0x0;
	[sflag:s11] =	ssyncadd.s32 $0xFFFFFC00  }
0x18: {  	v5 =	vld [tilespmem:s24+$0x70]  }
0x19: {  	v6 =	vld [tilespmem:s24+$0x0]  }
0x1a: {  	v7 =	vld [tilespmem:s24+$0x10];
	_ =	sdelay $0x2  }
0x1b: {  	[tilespmem:s24+$0x470] =	vst v5  }
0x1c: {  	[tilespmem:s24+$0x400] =	vst v6  }
0x1d: {  	v2 =	vld [tilespmem:s24+$0x20];
	v4 =	vadd.s32 $0x188A2, v5;
	[tilespmem:s24+$0x410] =	vst v7  }
0x1e: {  	v8 =	vadd.s32 $0xC451, v6;
	[tilespmem:s24+$0xC70] =	vst v4  }
0x1f: {  	v0 =	vld [tilespmem:s24+$0x30];
	v52 =	vadd.s32 $0x188A2, v6;
	[tilespmem:s24+$0x800] =	vst v8  }
0x20: {  	v9 =	vadd.s32 $0xC451, v7;
	[tilespmem:s24+$0xC00] =	vst v52  }
0x21: {  	v1 =	vld [tilespmem:s24+$0x40];
	v53 =	vadd.s32 $0x188A2, v7;
	[tilespmem:s24+$0x810] =	vst v9  }
0x22: {  	v54 =	vadd.s32 $0xC451, v2;
	[tilespmem:s24+$0xC10] =	vst v53  }
0x23: {  	v3 =	vld [tilespmem:s24+$0x50];
	v55 =	vadd.s32 $0x188A2, v2;
	[tilespmem:s24+$0x820] =	vst v54  }
0x24: {  	v56 =	vadd.s32 $0xC451, v0;
	[tilespmem:s24+$0xC20] =	vst v55  }
0x25: {  	v57 =	vadd.s32 $0x188A2, v0;
	[tilespmem:s24+$0x830] =	vst v56  }
0x26: {  	v58 =	vadd.s32 $0xC451, v1;
	v4 =	vld [tilespmem:s24+$0x60];
	[tilespmem:s24+$0xC30] =	vst v57  }
0x27: {  	v59 =	vadd.s32 $0x188A2, v1;
	[tilespmem:s24+$0x840] =	vst v58  }
0x28: {  	v60 =	vadd.s32 $0xC451, v3;
	[tilespmem:s24+$0xC40] =	vst v59  }
0x29: {  	v61 =	vadd.s32 $0x188A2, v3;
	[tilespmem:s24+$0x850] =	vst v60  }
0x2a: {  	v5 =	vadd.s32 $0xC451, v5;
	[tilespmem:s24+$0xC50] =	vst v61  }
0x2b: {  	[tilespmem:s24+$0x870] =	vst v5;
	v62 =	vadd.s32 $0xC451, v4  }
0x2c: {  	v63 =	vadd.s32 $0x188A2, v4;
	[tilespmem:s24+$0x860] =	vst v62  }
0x2d: {  	s26 =	simm.s32 $0x80;
	s25 =	simm.s32 $0x400;
	[tilespmem:s24+$0xC60] =	vst v63  }
.LBB2_2:
0x2e: {  	p0 =	sne.s32 s25, $0xE00;
	v5 =	vld [tilespmem:s26+$0x70];
	[tilespmem:s24+$0x420] =	vst v2  }
0x2f: {  	v6 =	vld [tilespmem:s26+$0x0];
	[tilespmem:s24+$0x430] =	vst v0  }
0x30: {  	v7 =	vld [tilespmem:s26+$0x10];
	[tilespmem:s24+$0x440] =	vst v1  }
0x31: {  	v2 =	vld [tilespmem:s26+$0x20];
	[tilespmem:s24+$0x450] =	vst v3  }
0x32: {  	v0 =	vld [tilespmem:s26+$0x30];
	[tilespmem:s24+$0x460] =	vst v4;
	s24 =	smov.u32 s26  }
0x33: {  	v1 =	vld [tilespmem:s24+$0x40];
	[tilespmem:s24+$0x470] =	vst v5;
	v8 =	vadd.s32 $0xC451, v5;
	v4 =	vadd.s32 $0x188A2, v5  }
0x34: {  	v5 =	vadd.s32 $0xC451, v6;
	v9 =	vadd.s32 $0x188A2, v6;
	v3 =	vld [tilespmem:s24+$0x50];
	[tilespmem:s24+$0xC70] =	vst v4  }
0x35: {  	[tilespmem:s24+$0x800] =	vst v5;
	v5 =	vadd.s32 $0xC451, v7;
	v10 =	vadd.s32 $0x188A2, v7;
	v4 =	vld [tilespmem:s24+$0x60]  }
0x36: {  	[tilespmem:s24+$0xC00] =	vst v9;
	v9 =	vadd.s32 $0xC451, v2;
	v11 =	vadd.s32 $0x188A2, v2  }
0x37: {  	[tilespmem:s24+$0x810] =	vst v5;
	v5 =	vadd.s32 $0xC451, v0;
	v12 =	vadd.s32 $0x188A2, v0  }
0x38: {  	[tilespmem:s24+$0xC10] =	vst v10;
	v10 =	vadd.s32 $0xC451, v1;
	v13 =	vadd.s32 $0x188A2, v1  }
0x39: {  	[tilespmem:s24+$0x820] =	vst v9;
	v9 =	vadd.s32 $0xC451, v3;
	v14 =	vadd.s32 $0x188A2, v3  }
0x3a: {  	[tilespmem:s24+$0xC20] =	vst v11;
	v11 =	vadd.s32 $0xC451, v4;
	v15 =	vadd.s32 $0x188A2, v4  }
0x3b: {  	[tilespmem:s24+$0x830] =	vst v5  }
0x3c: {  	[tilespmem:s24+$0xC30] =	vst v12  }
0x3d: {  	[tilespmem:s24+$0x840] =	vst v10  }
0x3e: {  	[tilespmem:s24+$0xC40] =	vst v13  }
0x3f: {  	[tilespmem:s24+$0x850] =	vst v9  }
0x40: {  	[tilespmem:s24+$0xC50] =	vst v14  }
.Ltmp0:
0x41: {  	[tilespmem:s24+$0x860] =	vst v11;
	(pc) =	sbr.rel @p0 .LBB2_2-.Ltmp0, $4  }
0x42: {  	[tilespmem:s24+$0xC60] =	vst v15  }
0x43: {  	[tilespmem:s24+$0x870] =	vst v8  }
0x44: {  	[tilespmem:s24+$0x400] =	vst v6  }
0x45: {  	s26 =	sshra.s32 s25, $0x2;
	s25 =	sadd.s32 $0x200, s25;
	[tilespmem:s24+$0x410] =	vst v7  }
0x46: {  	v5 =	vld [tilespmem:s26+$0x70];
	[tilespmem:s24+$0x420] =	vst v2  }
0x47: {  	v2 =	vld [tilespmem:s26+$0x0];
	[tilespmem:s24+$0x430] =	vst v0  }
0x48: {  	v0 =	vld [tilespmem:s26+$0x10];
	[tilespmem:s24+$0x440] =	vst v1  }
0x49: {  	v1 =	vld [tilespmem:s26+$0x20];
	[tilespmem:s24+$0x450] =	vst v3  }
0x4a: {  	v3 =	vld [tilespmem:s26+$0x30];
	[tilespmem:s24+$0x460] =	vst v4  }
0x4b: {  	[tilespmem:s26+$0x470] =	vst v5;
	v6 =	vadd.s32 $0x188A2, v5  }
0x4c: {  	v5 =	vadd.s32 $0xC451, v5;
	[tilespmem:s26+$0xC70] =	vst v6  }
0x4d: {  	[tilespmem:s26+$0x870] =	vst v5  }
0x4e: {  	v8 =	vadd.s32 $0xC451, v2;
	[tilespmem:s26+$0x400] =	vst v2  }
0x4f: {  	v51 =	vadd.s32 $0x188A2, v2;
	[tilespmem:s26+$0x800] =	vst v8  }
0x50: {  	[tilespmem:s26+$0xC00] =	vst v51  }
0x51: {  	v9 =	vadd.s32 $0xC451, v0;
	[tilespmem:s26+$0x410] =	vst v0  }
0x52: {  	v53 =	vadd.s32 $0x188A2, v0;
	[tilespmem:s26+$0x810] =	vst v9  }
0x53: {  	[tilespmem:s26+$0xC10] =	vst v53  }
0x54: {  	v54 =	vadd.s32 $0xC451, v1;
	[tilespmem:s26+$0x420] =	vst v1  }
0x55: {  	v4 =	vld [tilespmem:s26+$0x40];
	v55 =	vadd.s32 $0x188A2, v1;
	[tilespmem:s26+$0x820] =	vst v54  }
0x56: {  	v7 =	vld [tilespmem:s26+$0x50];
	[tilespmem:s26+$0xC20] =	vst v55  }
0x57: {  	v52 =	vld [tilespmem:s26+$0x60];
	v56 =	vadd.s32 $0xC451, v3;
	[tilespmem:s26+$0x430] =	vst v3  }
0x58: {  	v57 =	vadd.s32 $0x188A2, v3;
	[tilespmem:s26+$0x830] =	vst v56  }
0x59: {  	[tilespmem:s26+$0xC30] =	vst v57  }
0x5a: {  	[tilespmem:s26+$0x440] =	vst v4  }
0x5b: {  	[tilespmem:s26+$0x450] =	vst v7  }
0x5c: {  	v58 =	vadd.s32 $0xC451, v4;
	[tilespmem:s26+$0x460] =	vst v52  }
0x5d: {  	v59 =	vadd.s32 $0x188A2, v4;
	[tilespmem:s26+$0x840] =	vst v58  }
0x5e: {  	v60 =	vadd.s32 $0xC451, v7;
	[tilespmem:s26+$0xC40] =	vst v59  }
0x5f: {  	v61 =	vadd.s32 $0x188A2, v7;
	[tilespmem:s26+$0x850] =	vst v60  }
0x60: {  	v62 =	vadd.s32 $0xC451, v52;
	[tilespmem:s26+$0xC50] =	vst v61  }
0x61: {  	v63 =	vadd.s32 $0x188A2, v52;
	[tilespmem:s26+$0x860] =	vst v62  }
0x62: {  	s25 =	simm.s32 $0x400;
	[tilespmem:s26+$0xC60] =	vst v63  }
0x63: {  	[tilespmem:s13], [sflag:$0x1] =	stream.indirect.gather [hbm4b:s2+s9], $0x1, s25, s9, $0xb8;
	[tilespmem:$0x1C00] =	vst v63  }
0x64: {  	s26 =	simm.s32 $0x800  }
0x65: {  	[tilespmem:s15], [sflag:$0x1] =	stream.indirect.gather [hbm4b:s2+s9], $0x1, s26, s9, $0xb8;
	[tilespmem:$0x1C00] =	vst v63  }
0x66: {  	s25 =	simm.s32 $0xC00  }
0x67: {  	[tilespmem:s17], [sflag:$0x1] =	stream.indirect.gather [hbm4b:s2+s9], $0x1, s25, s9, $0xb8;
	[tilespmem:$0x1C00] =	vst v63  }
0x68: {  	s26 =	simm.s32 $0x480;
	s25 =	simm.s32 $0x1080  }
0x69: {  	[tilespmem:s25], [sflag:$0x1] =	stream.indirect.gather [hbm4b:s2+s9], $0x1, s26, s9, $0xb8;
	[tilespmem:$0x1C00] =	vst v63  }
0x6a: {  	s25 =	simm.s32 $0x880;
	s26 =	simm.s32 $0x1480  }
0x6b: {  	[tilespmem:s26], [sflag:$0x1] =	stream.indirect.gather [hbm4b:s2+s9], $0x1, s25, s9, $0xb8;
	[tilespmem:$0x1C00] =	vst v63  }
0x6c: {  	s25 =	simm.s32 $0xC80;
	s26 =	simm.s32 $0x1880  }
0x6d: {  	[tilespmem:s26], [sflag:$0x1] =	stream.indirect.gather [hbm4b:s2+s9], $0x1, s25, s9, $0xb8;
	[tilespmem:$0x1C00] =	vst v63  }
0x6e: {  	s25 =	simm.s32 $0x500;
	s26 =	simm.s32 $0x1100  }
0x6f: {  	[tilespmem:s26], [sflag:$0x1] =	stream.indirect.gather [hbm4b:s2+s9], $0x1, s25, s9, $0xb8;
	[tilespmem:$0x1C00] =	vst v63  }
0x70: {  	s25 =	simm.s32 $0x900;
	s26 =	simm.s32 $0x1500  }
0x71: {  	[tilespmem:s26], [sflag:$0x1] =	stream.indirect.gather [hbm4b:s2+s9], $0x1, s25, s9, $0xb8;
	[tilespmem:$0x1C00] =	vst v63  }
0x72: {  	s25 =	simm.s32 $0xD00;
	s26 =	simm.s32 $0x1900  }
0x73: {  	[tilespmem:s26], [sflag:$0x1] =	stream.indirect.gather [hbm4b:s2+s9], $0x1, s25, s9, $0xb8;
	[tilespmem:$0x1C00] =	vst v63  }
0x74: {  	s25 =	simm.s32 $0x580;
	s26 =	simm.s32 $0x1180  }
0x75: {  	[tilespmem:s26], [sflag:$0x1] =	stream.indirect.gather [hbm4b:s2+s9], $0x1, s25, s9, $0xb8;
	[tilespmem:$0x1C00] =	vst v63  }
0x76: {  	s25 =	simm.s32 $0x980;
	s26 =	simm.s32 $0x1580  }
0x77: {  	[tilespmem:s26], [sflag:$0x1] =	stream.indirect.gather [hbm4b:s2+s9], $0x1, s25, s9, $0xb8;
	[tilespmem:$0x1C00] =	vst v63  }
0x78: {  	s25 =	simm.s32 $0xD80;
	s26 =	simm.s32 $0x1980  }
0x79: {  	[tilespmem:s26], [sflag:$0x1] =	stream.indirect.gather [hbm4b:s2+s9], $0x1, s25, s9, $0xb8;
	[tilespmem:$0x1C00] =	vst v63  }
0x7a: {  	s25 =	simm.s32 $0x600;
	s26 =	simm.s32 $0x1200  }
0x7b: {  	[tilespmem:s26], [sflag:$0x1] =	stream.indirect.gather [hbm4b:s2+s9], $0x1, s25, s9, $0xb8;
	[tilespmem:$0x1C00] =	vst v63  }
0x7c: {  	s25 =	simm.s32 $0xA00;
	s26 =	simm.s32 $0x1600  }
0x7d: {  	[tilespmem:s26], [sflag:$0x1] =	stream.indirect.gather [hbm4b:s2+s9], $0x1, s25, s9, $0xb8;
	[tilespmem:$0x1C00] =	vst v63  }
0x7e: {  	s25 =	simm.s32 $0xE00;
	s26 =	simm.s32 $0x1A00  }
0x7f: {  	[tilespmem:s26], [sflag:$0x1] =	stream.indirect.gather [hbm4b:s2+s9], $0x1, s25, s9, $0xb8;
	[tilespmem:$0x1C00] =	vst v63  }
0x80: {  	s25 =	simm.s32 $0x680;
	s26 =	simm.s32 $0x1280  }
0x81: {  	[tilespmem:s26], [sflag:$0x1] =	stream.indirect.gather [hbm4b:s2+s9], $0x1, s25, s9, $0xb8;
	[tilespmem:$0x1C00] =	vst v63  }
0x82: {  	s25 =	simm.s32 $0xA80;
	s26 =	simm.s32 $0x1680  }
0x83: {  	[tilespmem:s26], [sflag:$0x1] =	stream.indirect.gather [hbm4b:s2+s9], $0x1, s25, s9, $0xb8;
	[tilespmem:$0x1C00] =	vst v63  }
0x84: {  	_ = 	snop  }
0x85: {  	[tilespmem:s29], [sflag:$0x1] =	stream.indirect.gather [hbm4b:s2+s9], $0x1, s28, s9, $0xb8;
	[tilespmem:$0x1C00] =	vst v63  }
0x86: {  	_ = 	snop  }
0x87: {  	[tilespmem:s31], [sflag:$0x1] =	stream.indirect.gather [hbm4b:s2+s9], $0x1, s30, s9, $0xb8;
	[tilespmem:$0x1C00] =	vst v63  }
0x88: {  	_ = 	snop  }
0x89: {  	[tilespmem:s1], [sflag:$0x1] =	stream.indirect.gather [hbm4b:s2+s9], $0x1, s0, s9, $0xb8;
	[tilespmem:$0x1C00] =	vst v63  }
0x8a: {  	_ = 	snop  }
0x8b: {  	[tilespmem:s12], [sflag:$0x1] =	stream.indirect.gather [hbm4b:s2+s9], $0x1, s10, s9, $0xb8;
	[tilespmem:$0x1C00] =	vst v63  }
0x8c: {  	_ = 	snop  }
0x8d: {  	[tilespmem:s16], [sflag:$0x1] =	stream.indirect.gather [hbm4b:s2+s9], $0x1, s14, s9, $0xb8;
	[tilespmem:$0x1C00] =	vst v63  }
0x8e: {  	_ = 	snop  }
0x8f: {  	[tilespmem:s19], [sflag:$0x1] =	stream.indirect.gather [hbm4b:s2+s9], $0x1, s18, s9, $0xb8;
	[tilespmem:$0x1C00] =	vst v63  }
0x90: {  	_ = 	snop  }
0x91: {  	[tilespmem:s21], [sflag:$0x1] =	stream.indirect.gather [hbm4b:s2+s9], $0x1, s20, s9, $0xb8;
	[tilespmem:$0x1C00] =	vst v63  }
0x92: {  	_ =	swait.ge [sflag:s22], $0x400  }
0x93: {  	[sflag:s22] =	ssyncset.done $0x0  }
0x94: {  	[sflag:s22] =	ssyncadd.s32 $0xFFFFFC00  }
0x95: {  	_ =	swait.ge [sflag:s22], $0x400  }
0x96: {  	[sflag:s22] =	ssyncset.done $0x0  }
0x97: {  	[sflag:s22] =	ssyncadd.s32 $0xFFFFFC00  }
0x98: {  	_ =	swait.ge [sflag:s22], $0x400  }
0x99: {  	[sflag:s22] =	ssyncset.done $0x0  }
0x9a: {  	[sflag:s22] =	ssyncadd.s32 $0xFFFFFC00  }
0x9b: {  	[hbm4b:s5+s3] =	stream.linear.scatter [tilespmem:s13], [sflag:$0x2], $0x400, $0x38;
	[tilespmem:$0x1C00] =	vst v63  }
0x9c: {  	_ =	swait.ge [sflag:s11], $0x400  }
0x9d: {  	[sflag:s11] =	ssyncset.done $0x0  }
0x9e: {  	[sflag:s11] =	ssyncadd.s32 $0xFFFFFC00  }
0x9f: {  	[hbm4b:s6+s3] =	stream.linear.scatter [tilespmem:s15], [sflag:$0x2], $0x400, $0x38;
	[tilespmem:$0x1C00] =	vst v63  }
0xa0: {  	s23 =	sadd.s32 $0x1, s23;
	_ =	swait.ge [sflag:s11], $0x400  }
0xa1: {  	p0 =	sne.s32 s23, s8;
	[sflag:s11] =	ssyncset.done $0x0  }
.Ltmp1:
0xa2: {  	[sflag:s11] =	ssyncadd.s32 $0xFFFFFC00;
	(pc) =	sbr.rel @p0 .LBB2_1-.Ltmp1, $4  }
0xa3: {  	[hbm4b:s7+s3] =	stream.linear.scatter [tilespmem:s17], [sflag:$0x2], $0x400, $0x38;
	[tilespmem:$0x1C00] =	vst v63  }
0xa4: {  	_ =	swait.ge [sflag:s11], $0x400  }
0xa5: {  	[sflag:s11] =	ssyncset.done $0x0  }
0xa6: {  	[sflag:s11] =	ssyncadd.s32 $0xFFFFFC00  }
0xa7: {  	_ =	sfence.sel $0x180000  }
0xa8: {  	[bflag:$0x0] =	sbarrier.arrive $0xFFFF  }
0xa9: {  	_ =	strace $0x90000047  }
0xaa: {  	s0 =	stileid.u32;
	[bflag:$0x2] =	sbarrier.arrive $0xFFFF  }
0xab: {  	p0 =	sne.s32 s0, $0x0;
	s0 =	rddreg [dreg:$0x3]  }
0xac: {  	s0 =	sadd.s32 @!p0 $0x100000, s0  }
0xad: {  	[sflag:s0] =	ssyncadd.tile.s32 @!p0 $0x1;
	_ =	shalt  }
.Lfunc_end2:
_tile_overlayer_lowered:
.L_overlay_start_2:
0xae: {  	(tag) =	ssettag $0x2  }
0xaf: {  	s0 =	rddreg [dreg:$0x0];
	s2 =	stileid.u32  }
0xb0: {  	s1 =	rddreg [dreg:$0x1];
	p0 =	sne.s32 s2, $0x0  }
0xb1: {  	s3 =	rddreg [dreg:$0x2];
	[bflag:$0x3] =	sbarrier.arrive $0xFFFF;
	s2 =	simm.s32 @!p0 $0x1C02  }
0xb2: {  	[timem:s3], [sflag:s2] =	dma.local @!p0 [hbm:s0], s1  }
0xb3: {  	s0 =	simm.s32 @!p0 $0x2  }
0xb4: {  	_ =	swait.ge @!p0 [sflag:s0], s1  }
0xb5: {  	s1 =	ssub.s32 @!p0 $0x0, s1;
	[sflag:s0] =	ssyncset.done @!p0 $0x0  }
0xb6: {  	[sflag:s0] =	ssyncadd.s32 @!p0 s1  }
0xb7: {  	[bflag:$0x3] =	sbarrier.arrive $0xFFFF  }
0xb8: {  	_ =	shalt  }

</sc_bundles>
